<compile_context>
chip_gen: v7x
topology: tpu7x:2x2x1
jax: 0.10.2.dev20260603
libtpu: 0.0.44.dev20260713+nightly
codegen_flags: <defaults>
</compile_context>

<pallas_src>
import functools

import jax
import jax.numpy as jnp
from jax import lax
from jax.experimental import pallas as pl
from jax.experimental.pallas import tpu as pltpu
from jax.experimental.pallas import tpu_sc as plsc

NC = 2
NS = 16
L = 16
NW = NC * NS
B = 16384
BPW = B // NW
CHUNK = 128
NCHUNK = BPW // CHUNK
D = 32
GROUPS = BPW // L
STRIDE = L + 1


def _sc_scores(ri, app_rm, ent_rm):
  mesh = plsc.VectorSubcoreMesh(
      core_axis_name="c", subcore_axis_name="s", num_cores=NC, num_subcores=NS)

  @functools.partial(
      pl.kernel,
      out_type=jax.ShapeDtypeStruct((2, NW, GROUPS, L), jnp.float32),
      mesh=mesh,
      compiler_params=pltpu.CompilerParams(
          needs_layout_passes=False, use_tc_tiling_on_sc=False),
      scratch_types=[
          pltpu.VMEM((NCHUNK, CHUNK), jnp.int32),
          pltpu.VMEM((NCHUNK, CHUNK), jnp.int32),
          pltpu.VMEM((NCHUNK, CHUNK), jnp.int32),
          pltpu.VMEM((NCHUNK, CHUNK), jnp.int32),
          pltpu.VMEM((BPW, D), jnp.float32),
          pltpu.VMEM((BPW, D), jnp.float32),
          pltpu.VMEM((BPW, D), jnp.float32),
          pltpu.VMEM((BPW, D), jnp.float32),
          pltpu.VMEM((BPW * STRIDE,), jnp.float32),
          pltpu.VMEM((BPW * STRIDE,), jnp.float32),
          pltpu.VMEM((GROUPS, L), jnp.float32),
          pltpu.VMEM((GROUPS, L), jnp.float32),
          pltpu.SemaphoreType.DMA,
      ],
  )
  def k(ri_pa, ri_pe, ri_na, ri_ne, app, ent, out_h,
        pa_i, pe_i, na_i, ne_i, pa_r, pe_r, na_r, ne_r,
        sp_flat, sn_flat, s_pos, s_neg, sem):
    wid = lax.axis_index("s") * NC + lax.axis_index("c")

    row0 = wid * NCHUNK
    pltpu.sync_copy(ri_pa.at[pl.ds(row0, NCHUNK)], pa_i)
    pltpu.sync_copy(ri_pe.at[pl.ds(row0, NCHUNK)], pe_i)
    pltpu.sync_copy(ri_na.at[pl.ds(row0, NCHUNK)], na_i)
    pltpu.sync_copy(ri_ne.at[pl.ds(row0, NCHUNK)], ne_i)

    copies = []
    for c in range(NCHUNK):
      dst = pl.ds(c * CHUNK, CHUNK)
      copies.append(pltpu.async_copy(app.at[pa_i.at[c]], pa_r.at[dst], sem))
      copies.append(pltpu.async_copy(ent.at[pe_i.at[c]], pe_r.at[dst], sem))
      copies.append(pltpu.async_copy(app.at[na_i.at[c]], na_r.at[dst], sem))
      copies.append(pltpu.async_copy(ent.at[ne_i.at[c]], ne_r.at[dst], sem))
    for cp in copies:
      cp.wait()

    lane = lax.iota(jnp.int32, L)
    lo = pl.ds(0, L)
    hi = pl.ds(L, L)

    def stage(r, _):
      sp_flat[pl.ds(r * STRIDE, L)] = (
          pa_r[r, lo] * pe_r[r, lo] + pa_r[r, hi] * pe_r[r, hi])
      sn_flat[pl.ds(r * STRIDE, L)] = (
          na_r[r, lo] * ne_r[r, lo] + na_r[r, hi] * ne_r[r, hi])
      return 0

    lax.fori_loop(0, BPW, stage, 0)

    def accum(g, _):
      base = (g * L + lane) * STRIDE
      accp = jnp.zeros((L,), jnp.float32)
      accn = jnp.zeros((L,), jnp.float32)
      for j in range(L):
        accp += plsc.load_gather(sp_flat, [base + j])
        accn += plsc.load_gather(sn_flat, [base + j])
      s_pos[g, :] = accp
      s_neg[g, :] = accn
      return 0

    lax.fori_loop(0, GROUPS, accum, 0)

    pltpu.sync_copy(s_pos, out_h.at[0, wid])
    pltpu.sync_copy(s_neg, out_h.at[1, wid])

  return k(ri[0], ri[1], ri[2], ri[3], app_rm, ent_rm)


def _tc_reduce(scores):
  def body(x_ref, o_ref):
    x = x_ref[...]
    row = lax.broadcasted_iota(jnp.int32, x.shape, 0)
    s = jnp.where(row < 128, x, -x)
    ls = jnp.minimum(s, 0.0) - jnp.log1p(jnp.exp(-jnp.abs(s)))
    o_ref[0, 0] = -jnp.sum(ls)

  out = pl.pallas_call(
      body,
      out_shape=jax.ShapeDtypeStruct((1, 1), jnp.float32),
      out_specs=pl.BlockSpec(memory_space=pltpu.SMEM),
  )(scores)
  return out[0, 0]


def kernel(pos_app, pos_entity, neg_app, neg_entity, app_emb, entity_emb):
  idx = [x.astype(jnp.int32).reshape(B // CHUNK, CHUNK)
         for x in (pos_app, pos_entity, neg_app, neg_entity)]
  scores = _sc_scores(idx, app_emb, entity_emb)
  return _tc_reduce(scores.reshape(2 * B // 128, 128))

# --- scband reference (transcript-rebuilt; emitter-appended) ---
"""Pipeline reference for scband-line-76020921140177 (READ-ONLY COPY).

The authoritative reference and input builder live on the scoring server;
editing this copy changes nothing except your own understanding.
"""

import jax, jax.numpy as jnp
import numpy as np

APP_COUNT = 1000000
ENTITY_COUNT = 1000000
EMB_DIM = 32
BATCH = 16384

def setup_inputs(seed: int = 0) -> dict:
    key = jax.random.key(seed)
    k1, k2, k3, k4, k5, k6 = jax.random.split(key, 6)
    # Xavier uniform bound for Embedding weight [num, dim]
    bound_app = float(np.sqrt(6.0 / (APP_COUNT + EMB_DIM)))
    bound_ent = float(np.sqrt(6.0 / (ENTITY_COUNT + EMB_DIM)))
    app_emb = jax.random.uniform(k1, (APP_COUNT, EMB_DIM), dtype=jnp.float32, minval=-bound_app, maxval=bound_app)
    entity_emb = jax.random.uniform(k2, (ENTITY_COUNT, EMB_DIM), dtype=jnp.float32, minval=-bound_ent, maxval=bound_ent)
    pos_app = jax.random.randint(k3, (BATCH,), 0, APP_COUNT, dtype=jnp.int64 if jax.config.read('jax_enable_x64') else jnp.int32)
    pos_entity = jax.random.randint(k4, (BATCH,), 0, ENTITY_COUNT, dtype=pos_app.dtype)
    neg_app = jax.random.randint(k5, (BATCH,), 0, APP_COUNT, dtype=pos_app.dtype)
    neg_entity = jax.random.randint(k6, (BATCH,), 0, ENTITY_COUNT, dtype=pos_app.dtype)
    return {
        'pos_app': pos_app,
        'pos_entity': pos_entity,
        'neg_app': neg_app,
        'neg_entity': neg_entity,
        'app_emb': app_emb,
        'entity_emb': entity_emb,
    }

def reference(pos_app, pos_entity, neg_app, neg_entity, app_emb, entity_emb):
    pos_emb_app = jnp.take(app_emb, pos_app, axis=0)
    pos_emb_entity = jnp.take(entity_emb, pos_entity, axis=0)
    pos_score = jnp.sum(pos_emb_app * pos_emb_entity, axis=1)
    pos_score = jax.nn.log_sigmoid(pos_score)
    neg_emb_app = jnp.take(app_emb, neg_app, axis=0)
    neg_emb_entity = jnp.take(entity_emb, neg_entity, axis=0)
    neg_score = jnp.sum(neg_emb_app * neg_emb_entity, axis=1)
    neg_score = jax.nn.log_sigmoid(-1.0 * neg_score)
    pos_score_sum = jnp.sum(pos_score)
    neg_score_sum = jnp.sum(neg_score)
    all_score = -1.0 * (pos_score_sum + neg_score_sum)
    return all_score

if __name__ == "__main__":
    import jax
    _d = setup_inputs()
    print(jax.jit(kernel)(*tuple(_d.values())))

</pallas_src>

<mosaic_0001>
#map = affine_map<(d0, d1) -> (0, 0)>
#map1 = affine_map<(d0, d1) -> (0, 0, 0, 0)>
module attributes {stable_mosaic.version = 14 : i64} {
  func.func @k(%arg0: i32, %arg1: i32, %arg2: memref<128x128xi32, #tpu.memory_space<hbm>>, %arg3: memref<128x128xi32, #tpu.memory_space<hbm>>, %arg4: memref<128x128xi32, #tpu.memory_space<hbm>>, %arg5: memref<128x128xi32, #tpu.memory_space<hbm>>, %arg6: memref<1000000x32xf32, #tpu.memory_space<hbm>>, %arg7: memref<1000000x32xf32, #tpu.memory_space<hbm>>, %arg8: memref<2x32x32x16xf32, #tpu.memory_space<hbm>>, %arg9: memref<4x128xi32, #tpu.memory_space<vmem>>, %arg10: memref<4x128xi32, #tpu.memory_space<vmem>>, %arg11: memref<4x128xi32, #tpu.memory_space<vmem>>, %arg12: memref<4x128xi32, #tpu.memory_space<vmem>>, %arg13: memref<512x32xf32, #tpu.memory_space<vmem>>, %arg14: memref<512x32xf32, #tpu.memory_space<vmem>>, %arg15: memref<512x32xf32, #tpu.memory_space<vmem>>, %arg16: memref<512x32xf32, #tpu.memory_space<vmem>>, %arg17: memref<8704xf32, #tpu.memory_space<vmem>>, %arg18: memref<8704xf32, #tpu.memory_space<vmem>>, %arg19: memref<32x16xf32, #tpu.memory_space<vmem>>, %arg20: memref<32x16xf32, #tpu.memory_space<vmem>>, %arg21: memref<!tpu.dma_semaphore, #tpu.memory_space<semaphore_mem>>) attributes {dimension_semantics = [#tpu.dimension_semantics<core_parallel>, #tpu.dimension_semantics<subcore_parallel>], iteration_bounds = array<i64: 2, 16>, scalar_prefetch = 0 : i64, scratch_operands = 13 : i64, tpu.core_type = #tpu.core_type<sc_vector_subcore>, window_params = [{transform_indices = #map}, {transform_indices = #map}, {transform_indices = #map}, {transform_indices = #map}, {transform_indices = #map}, {transform_indices = #map}, {transform_indices = #map1}]} {
    %mul3A = arith.constant 2 : i32
    %mul3A_0 = arith.muli %arg1, %mul3A : i32
    %add3A = arith.addi %mul3A_0, %arg0 : i32
    %mul3A_1 = arith.constant 4 : i32
    %mul3A_2 = arith.muli %add3A, %mul3A_1 : i32
    "tpu.region"() ({
      %run_scoped3A_335 = tpu.sem_alloc : memref<!tpu.dma_semaphore, #tpu.memory_space<semaphore_mem>>
      %dma_start3A_336 = arith.constant 0 : i32
      %dma_start3A_337 = tpu.memref_slice %arg2[%mul3A_2, %dma_start3A_336] : memref<128x128xi32, #tpu.memory_space<hbm>> -> memref<4x128xi32, #tpu.memory_space<hbm>>
      %dma_start3A_338 = arith.constant 0 : i32
      %dma_start3A_339 = tpu.memref_slice %arg2[%mul3A_2, %dma_start3A_338] : memref<128x128xi32, #tpu.memory_space<hbm>> -> memref<4x128xi32, #tpu.memory_space<hbm>>
      tpu.enqueue_dma source(%dma_start3A_339 : memref<4x128xi32, #tpu.memory_space<hbm>>) target(%arg9 : memref<4x128xi32, #tpu.memory_space<vmem>>) target_semaphore(%run_scoped3A_335 : memref<!tpu.dma_semaphore, #tpu.memory_space<semaphore_mem>>)
      %dma_wait3A_340 = arith.constant 0 : i32
      %dma_wait3A_341 = tpu.memref_slice %arg2[%mul3A_2, %dma_wait3A_340] : memref<128x128xi32, #tpu.memory_space<hbm>> -> memref<4x128xi32, #tpu.memory_space<hbm>>
      %dma_wait3A_342 = arith.constant 0 : i32
      %dma_wait3A_343 = tpu.memref_slice %arg2[%mul3A_2, %dma_wait3A_342] : memref<128x128xi32, #tpu.memory_space<hbm>> -> memref<4x128xi32, #tpu.memory_space<hbm>>
      tpu.wait_dma2 semaphore(%run_scoped3A_335 : memref<!tpu.dma_semaphore, #tpu.memory_space<semaphore_mem>>) src(%dma_wait3A_343 : memref<4x128xi32, #tpu.memory_space<hbm>>) dst(%arg9 : memref<4x128xi32, #tpu.memory_space<vmem>>)
      tpu.yield
    }) : () -> ()
    "tpu.region"() ({
      %run_scoped3A_335 = tpu.sem_alloc : memref<!tpu.dma_semaphore, #tpu.memory_space<semaphore_mem>>
      %dma_start3A_336 = arith.constant 0 : i32
      %dma_start3A_337 = tpu.memref_slice %arg3[%mul3A_2, %dma_start3A_336] : memref<128x128xi32, #tpu.memory_space<hbm>> -> memref<4x128xi32, #tpu.memory_space<hbm>>
      %dma_start3A_338 = arith.constant 0 : i32
      %dma_start3A_339 = tpu.memref_slice %arg3[%mul3A_2, %dma_start3A_338] : memref<128x128xi32, #tpu.memory_space<hbm>> -> memref<4x128xi32, #tpu.memory_space<hbm>>
      tpu.enqueue_dma source(%dma_start3A_339 : memref<4x128xi32, #tpu.memory_space<hbm>>) target(%arg10 : memref<4x128xi32, #tpu.memory_space<vmem>>) target_semaphore(%run_scoped3A_335 : memref<!tpu.dma_semaphore, #tpu.memory_space<semaphore_mem>>)
      %dma_wait3A_340 = arith.constant 0 : i32
      %dma_wait3A_341 = tpu.memref_slice %arg3[%mul3A_2, %dma_wait3A_340] : memref<128x128xi32, #tpu.memory_space<hbm>> -> memref<4x128xi32, #tpu.memory_space<hbm>>
      %dma_wait3A_342 = arith.constant 0 : i32
      %dma_wait3A_343 = tpu.memref_slice %arg3[%mul3A_2, %dma_wait3A_342] : memref<128x128xi32, #tpu.memory_space<hbm>> -> memref<4x128xi32, #tpu.memory_space<hbm>>
      tpu.wait_dma2 semaphore(%run_scoped3A_335 : memref<!tpu.dma_semaphore, #tpu.memory_space<semaphore_mem>>) src(%dma_wait3A_343 : memref<4x128xi32, #tpu.memory_space<hbm>>) dst(%arg10 : memref<4x128xi32, #tpu.memory_space<vmem>>)
      tpu.yield
    }) : () -> ()
    "tpu.region"() ({
      %run_scoped3A_335 = tpu.sem_alloc : memref<!tpu.dma_semaphore, #tpu.memory_space<semaphore_mem>>
      %dma_start3A_336 = arith.constant 0 : i32
      %dma_start3A_337 = tpu.memref_slice %arg4[%mul3A_2, %dma_start3A_336] : memref<128x128xi32, #tpu.memory_space<hbm>> -> memref<4x128xi32, #tpu.memory_space<hbm>>
      %dma_start3A_338 = arith.constant 0 : i32
      %dma_start3A_339 = tpu.memref_slice %arg4[%mul3A_2, %dma_start3A_338] : memref<128x128xi32, #tpu.memory_space<hbm>> -> memref<4x128xi32, #tpu.memory_space<hbm>>
      tpu.enqueue_dma source(%dma_start3A_339 : memref<4x128xi32, #tpu.memory_space<hbm>>) target(%arg11 : memref<4x128xi32, #tpu.memory_space<vmem>>) target_semaphore(%run_scoped3A_335 : memref<!tpu.dma_semaphore, #tpu.memory_space<semaphore_mem>>)
      %dma_wait3A_340 = arith.constant 0 : i32
      %dma_wait3A_341 = tpu.memref_slice %arg4[%mul3A_2, %dma_wait3A_340] : memref<128x128xi32, #tpu.memory_space<hbm>> -> memref<4x128xi32, #tpu.memory_space<hbm>>
      %dma_wait3A_342 = arith.constant 0 : i32
      %dma_wait3A_343 = tpu.memref_slice %arg4[%mul3A_2, %dma_wait3A_342] : memref<128x128xi32, #tpu.memory_space<hbm>> -> memref<4x128xi32, #tpu.memory_space<hbm>>
      tpu.wait_dma2 semaphore(%run_scoped3A_335 : memref<!tpu.dma_semaphore, #tpu.memory_space<semaphore_mem>>) src(%dma_wait3A_343 : memref<4x128xi32, #tpu.memory_space<hbm>>) dst(%arg11 : memref<4x128xi32, #tpu.memory_space<vmem>>)
      tpu.yield
    }) : () -> ()
    "tpu.region"() ({
      %run_scoped3A_335 = tpu.sem_alloc : memref<!tpu.dma_semaphore, #tpu.memory_space<semaphore_mem>>
      %dma_start3A_336 = arith.constant 0 : i32
      %dma_start3A_337 = tpu.memref_slice %arg5[%mul3A_2, %dma_start3A_336] : memref<128x128xi32, #tpu.memory_space<hbm>> -> memref<4x128xi32, #tpu.memory_space<hbm>>
      %dma_start3A_338 = arith.constant 0 : i32
      %dma_start3A_339 = tpu.memref_slice %arg5[%mul3A_2, %dma_start3A_338] : memref<128x128xi32, #tpu.memory_space<hbm>> -> memref<4x128xi32, #tpu.memory_space<hbm>>
      tpu.enqueue_dma source(%dma_start3A_339 : memref<4x128xi32, #tpu.memory_space<hbm>>) target(%arg12 : memref<4x128xi32, #tpu.memory_space<vmem>>) target_semaphore(%run_scoped3A_335 : memref<!tpu.dma_semaphore, #tpu.memory_space<semaphore_mem>>)
      %dma_wait3A_340 = arith.constant 0 : i32
      %dma_wait3A_341 = tpu.memref_slice %arg5[%mul3A_2, %dma_wait3A_340] : memref<128x128xi32, #tpu.memory_space<hbm>> -> memref<4x128xi32, #tpu.memory_space<hbm>>
      %dma_wait3A_342 = arith.constant 0 : i32
      %dma_wait3A_343 = tpu.memref_slice %arg5[%mul3A_2, %dma_wait3A_342] : memref<128x128xi32, #tpu.memory_space<hbm>> -> memref<4x128xi32, #tpu.memory_space<hbm>>
      tpu.wait_dma2 semaphore(%run_scoped3A_335 : memref<!tpu.dma_semaphore, #tpu.memory_space<semaphore_mem>>) src(%dma_wait3A_343 : memref<4x128xi32, #tpu.memory_space<hbm>>) dst(%arg12 : memref<4x128xi32, #tpu.memory_space<vmem>>)
      tpu.yield
    }) : () -> ()
    %dma_start3A = arith.constant 0 : i32
    %dma_start3A_3 = arith.constant 0 : i32
    %dma_start3A_4 = arith.constant 0 : i32
    %dma_start3A_5 = tpu.memref_slice %arg13[%dma_start3A_3, %dma_start3A_4] : memref<512x32xf32, #tpu.memory_space<vmem>> -> memref<128x32xf32, #tpu.memory_space<vmem>>
    %dma_start3A_6 = arith.constant 0 : i32
    %dma_start3A_7 = tpu.memref_slice %arg9[%dma_start3A, %dma_start3A_6] : memref<4x128xi32, #tpu.memory_space<vmem>> -> memref<1x128xi32, #tpu.memory_space<vmem>>
    %dma_start3A_8 = tpu.memref_squeeze %dma_start3A_7 : memref<1x128xi32, #tpu.memory_space<vmem>> -> memref<128xi32, #tpu.memory_space<vmem>>
    %dma_start3A_9 = arith.constant 0 : i32
    %dma_start3A_10 = arith.constant 0 : i32
    %dma_start3A_11 = tpu.memref_slice %arg6[%dma_start3A_9, %dma_start3A_10] : memref<1000000x32xf32, #tpu.memory_space<hbm>> -> memref<1000000x32xf32, #tpu.memory_space<hbm>>
    tpu.enqueue_indirect_dma source(%dma_start3A_11 : memref<1000000x32xf32, #tpu.memory_space<hbm>>) target(%dma_start3A_5 : memref<128x32xf32, #tpu.memory_space<vmem>>) offsets(%dma_start3A_8 : memref<128xi32, #tpu.memory_space<vmem>>) semaphore(%arg21 : memref<!tpu.dma_semaphore, #tpu.memory_space<semaphore_mem>>)
    %dma_start3A_12 = arith.constant 0 : i32
    %dma_start3A_13 = arith.constant 0 : i32
    %dma_start3A_14 = arith.constant 0 : i32
    %dma_start3A_15 = tpu.memref_slice %arg14[%dma_start3A_13, %dma_start3A_14] : memref<512x32xf32, #tpu.memory_space<vmem>> -> memref<128x32xf32, #tpu.memory_space<vmem>>
    %dma_start3A_16 = arith.constant 0 : i32
    %dma_start3A_17 = tpu.memref_slice %arg10[%dma_start3A_12, %dma_start3A_16] : memref<4x128xi32, #tpu.memory_space<vmem>> -> memref<1x128xi32, #tpu.memory_space<vmem>>
    %dma_start3A_18 = tpu.memref_squeeze %dma_start3A_17 : memref<1x128xi32, #tpu.memory_space<vmem>> -> memref<128xi32, #tpu.memory_space<vmem>>
    %dma_start3A_19 = arith.constant 0 : i32
    %dma_start3A_20 = arith.constant 0 : i32
    %dma_start3A_21 = tpu.memref_slice %arg7[%dma_start3A_19, %dma_start3A_20] : memref<1000000x32xf32, #tpu.memory_space<hbm>> -> memref<1000000x32xf32, #tpu.memory_space<hbm>>
    tpu.enqueue_indirect_dma source(%dma_start3A_21 : memref<1000000x32xf32, #tpu.memory_space<hbm>>) target(%dma_start3A_15 : memref<128x32xf32, #tpu.memory_space<vmem>>) offsets(%dma_start3A_18 : memref<128xi32, #tpu.memory_space<vmem>>) semaphore(%arg21 : memref<!tpu.dma_semaphore, #tpu.memory_space<semaphore_mem>>)
    %dma_start3A_22 = arith.constant 0 : i32
    %dma_start3A_23 = arith.constant 0 : i32
    %dma_start3A_24 = arith.constant 0 : i32
    %dma_start3A_25 = tpu.memref_slice %arg15[%dma_start3A_23, %dma_start3A_24] : memref<512x32xf32, #tpu.memory_space<vmem>> -> memref<128x32xf32, #tpu.memory_space<vmem>>
    %dma_start3A_26 = arith.constant 0 : i32
    %dma_start3A_27 = tpu.memref_slice %arg11[%dma_start3A_22, %dma_start3A_26] : memref<4x128xi32, #tpu.memory_space<vmem>> -> memref<1x128xi32, #tpu.memory_space<vmem>>
    %dma_start3A_28 = tpu.memref_squeeze %dma_start3A_27 : memref<1x128xi32, #tpu.memory_space<vmem>> -> memref<128xi32, #tpu.memory_space<vmem>>
    %dma_start3A_29 = arith.constant 0 : i32
    %dma_start3A_30 = arith.constant 0 : i32
    %dma_start3A_31 = tpu.memref_slice %arg6[%dma_start3A_29, %dma_start3A_30] : memref<1000000x32xf32, #tpu.memory_space<hbm>> -> memref<1000000x32xf32, #tpu.memory_space<hbm>>
    tpu.enqueue_indirect_dma source(%dma_start3A_31 : memref<1000000x32xf32, #tpu.memory_space<hbm>>) target(%dma_start3A_25 : memref<128x32xf32, #tpu.memory_space<vmem>>) offsets(%dma_start3A_28 : memref<128xi32, #tpu.memory_space<vmem>>) semaphore(%arg21 : memref<!tpu.dma_semaphore, #tpu.memory_space<semaphore_mem>>)
    %dma_start3A_32 = arith.constant 0 : i32
    %dma_start3A_33 = arith.constant 0 : i32
    %dma_start3A_34 = arith.constant 0 : i32
    %dma_start3A_35 = tpu.memref_slice %arg16[%dma_start3A_33, %dma_start3A_34] : memref<512x32xf32, #tpu.memory_space<vmem>> -> memref<128x32xf32, #tpu.memory_space<vmem>>
    %dma_start3A_36 = arith.constant 0 : i32
    %dma_start3A_37 = tpu.memref_slice %arg12[%dma_start3A_32, %dma_start3A_36] : memref<4x128xi32, #tpu.memory_space<vmem>> -> memref<1x128xi32, #tpu.memory_space<vmem>>
    %dma_start3A_38 = tpu.memref_squeeze %dma_start3A_37 : memref<1x128xi32, #tpu.memory_space<vmem>> -> memref<128xi32, #tpu.memory_space<vmem>>
    %dma_start3A_39 = arith.constant 0 : i32
    %dma_start3A_40 = arith.constant 0 : i32
    %dma_start3A_41 = tpu.memref_slice %arg7[%dma_start3A_39, %dma_start3A_40] : memref<1000000x32xf32, #tpu.memory_space<hbm>> -> memref<1000000x32xf32, #tpu.memory_space<hbm>>
    tpu.enqueue_indirect_dma source(%dma_start3A_41 : memref<1000000x32xf32, #tpu.memory_space<hbm>>) target(%dma_start3A_35 : memref<128x32xf32, #tpu.memory_space<vmem>>) offsets(%dma_start3A_38 : memref<128xi32, #tpu.memory_space<vmem>>) semaphore(%arg21 : memref<!tpu.dma_semaphore, #tpu.memory_space<semaphore_mem>>)
    %dma_start3A_42 = arith.constant 1 : i32
    %dma_start3A_43 = arith.constant 128 : i32
    %dma_start3A_44 = arith.constant 0 : i32
    %dma_start3A_45 = tpu.memref_slice %arg13[%dma_start3A_43, %dma_start3A_44] : memref<512x32xf32, #tpu.memory_space<vmem>> -> memref<128x32xf32, #tpu.memory_space<vmem>>
    %dma_start3A_46 = arith.constant 0 : i32
    %dma_start3A_47 = tpu.memref_slice %arg9[%dma_start3A_42, %dma_start3A_46] : memref<4x128xi32, #tpu.memory_space<vmem>> -> memref<1x128xi32, #tpu.memory_space<vmem>>
    %dma_start3A_48 = tpu.memref_squeeze %dma_start3A_47 : memref<1x128xi32, #tpu.memory_space<vmem>> -> memref<128xi32, #tpu.memory_space<vmem>>
    %dma_start3A_49 = arith.constant 0 : i32
    %dma_start3A_50 = arith.constant 0 : i32
    %dma_start3A_51 = tpu.memref_slice %arg6[%dma_start3A_49, %dma_start3A_50] : memref<1000000x32xf32, #tpu.memory_space<hbm>> -> memref<1000000x32xf32, #tpu.memory_space<hbm>>
    tpu.enqueue_indirect_dma source(%dma_start3A_51 : memref<1000000x32xf32, #tpu.memory_space<hbm>>) target(%dma_start3A_45 : memref<128x32xf32, #tpu.memory_space<vmem>>) offsets(%dma_start3A_48 : memref<128xi32, #tpu.memory_space<vmem>>) semaphore(%arg21 : memref<!tpu.dma_semaphore, #tpu.memory_space<semaphore_mem>>)
    %dma_start3A_52 = arith.constant 1 : i32
    %dma_start3A_53 = arith.constant 128 : i32
    %dma_start3A_54 = arith.constant 0 : i32
    %dma_start3A_55 = tpu.memref_slice %arg14[%dma_start3A_53, %dma_start3A_54] : memref<512x32xf32, #tpu.memory_space<vmem>> -> memref<128x32xf32, #tpu.memory_space<vmem>>
    %dma_start3A_56 = arith.constant 0 : i32
    %dma_start3A_57 = tpu.memref_slice %arg10[%dma_start3A_52, %dma_start3A_56] : memref<4x128xi32, #tpu.memory_space<vmem>> -> memref<1x128xi32, #tpu.memory_space<vmem>>
    %dma_start3A_58 = tpu.memref_squeeze %dma_start3A_57 : memref<1x128xi32, #tpu.memory_space<vmem>> -> memref<128xi32, #tpu.memory_space<vmem>>
    %dma_start3A_59 = arith.constant 0 : i32
    %dma_start3A_60 = arith.constant 0 : i32
    %dma_start3A_61 = tpu.memref_slice %arg7[%dma_start3A_59, %dma_start3A_60] : memref<1000000x32xf32, #tpu.memory_space<hbm>> -> memref<1000000x32xf32, #tpu.memory_space<hbm>>
    tpu.enqueue_indirect_dma source(%dma_start3A_61 : memref<1000000x32xf32, #tpu.memory_space<hbm>>) target(%dma_start3A_55 : memref<128x32xf32, #tpu.memory_space<vmem>>) offsets(%dma_start3A_58 : memref<128xi32, #tpu.memory_space<vmem>>) semaphore(%arg21 : memref<!tpu.dma_semaphore, #tpu.memory_space<semaphore_mem>>)
    %dma_start3A_62 = arith.constant 1 : i32
    %dma_start3A_63 = arith.constant 128 : i32
    %dma_start3A_64 = arith.constant 0 : i32
    %dma_start3A_65 = tpu.memref_slice %arg15[%dma_start3A_63, %dma_start3A_64] : memref<512x32xf32, #tpu.memory_space<vmem>> -> memref<128x32xf32, #tpu.memory_space<vmem>>
    %dma_start3A_66 = arith.constant 0 : i32
    %dma_start3A_67 = tpu.memref_slice %arg11[%dma_start3A_62, %dma_start3A_66] : memref<4x128xi32, #tpu.memory_space<vmem>> -> memref<1x128xi32, #tpu.memory_space<vmem>>
    %dma_start3A_68 = tpu.memref_squeeze %dma_start3A_67 : memref<1x128xi32, #tpu.memory_space<vmem>> -> memref<128xi32, #tpu.memory_space<vmem>>
    %dma_start3A_69 = arith.constant 0 : i32
    %dma_start3A_70 = arith.constant 0 : i32
    %dma_start3A_71 = tpu.memref_slice %arg6[%dma_start3A_69, %dma_start3A_70] : memref<1000000x32xf32, #tpu.memory_space<hbm>> -> memref<1000000x32xf32, #tpu.memory_space<hbm>>
    tpu.enqueue_indirect_dma source(%dma_start3A_71 : memref<1000000x32xf32, #tpu.memory_space<hbm>>) target(%dma_start3A_65 : memref<128x32xf32, #tpu.memory_space<vmem>>) offsets(%dma_start3A_68 : memref<128xi32, #tpu.memory_space<vmem>>) semaphore(%arg21 : memref<!tpu.dma_semaphore, #tpu.memory_space<semaphore_mem>>)
    %dma_start3A_72 = arith.constant 1 : i32
    %dma_start3A_73 = arith.constant 128 : i32
    %dma_start3A_74 = arith.constant 0 : i32
    %dma_start3A_75 = tpu.memref_slice %arg16[%dma_start3A_73, %dma_start3A_74] : memref<512x32xf32, #tpu.memory_space<vmem>> -> memref<128x32xf32, #tpu.memory_space<vmem>>
    %dma_start3A_76 = arith.constant 0 : i32
    %dma_start3A_77 = tpu.memref_slice %arg12[%dma_start3A_72, %dma_start3A_76] : memref<4x128xi32, #tpu.memory_space<vmem>> -> memref<1x128xi32, #tpu.memory_space<vmem>>
    %dma_start3A_78 = tpu.memref_squeeze %dma_start3A_77 : memref<1x128xi32, #tpu.memory_space<vmem>> -> memref<128xi32, #tpu.memory_space<vmem>>
    %dma_start3A_79 = arith.constant 0 : i32
    %dma_start3A_80 = arith.constant 0 : i32
    %dma_start3A_81 = tpu.memref_slice %arg7[%dma_start3A_79, %dma_start3A_80] : memref<1000000x32xf32, #tpu.memory_space<hbm>> -> memref<1000000x32xf32, #tpu.memory_space<hbm>>
    tpu.enqueue_indirect_dma source(%dma_start3A_81 : memref<1000000x32xf32, #tpu.memory_space<hbm>>) target(%dma_start3A_75 : memref<128x32xf32, #tpu.memory_space<vmem>>) offsets(%dma_start3A_78 : memref<128xi32, #tpu.memory_space<vmem>>) semaphore(%arg21 : memref<!tpu.dma_semaphore, #tpu.memory_space<semaphore_mem>>)
    %dma_start3A_82 = arith.constant 2 : i32
    %dma_start3A_83 = arith.constant 256 : i32
    %dma_start3A_84 = arith.constant 0 : i32
    %dma_start3A_85 = tpu.memref_slice %arg13[%dma_start3A_83, %dma_start3A_84] : memref<512x32xf32, #tpu.memory_space<vmem>> -> memref<128x32xf32, #tpu.memory_space<vmem>>
    %dma_start3A_86 = arith.constant 0 : i32
    %dma_start3A_87 = tpu.memref_slice %arg9[%dma_start3A_82, %dma_start3A_86] : memref<4x128xi32, #tpu.memory_space<vmem>> -> memref<1x128xi32, #tpu.memory_space<vmem>>
    %dma_start3A_88 = tpu.memref_squeeze %dma_start3A_87 : memref<1x128xi32, #tpu.memory_space<vmem>> -> memref<128xi32, #tpu.memory_space<vmem>>
    %dma_start3A_89 = arith.constant 0 : i32
    %dma_start3A_90 = arith.constant 0 : i32
    %dma_start3A_91 = tpu.memref_slice %arg6[%dma_start3A_89, %dma_start3A_90] : memref<1000000x32xf32, #tpu.memory_space<hbm>> -> memref<1000000x32xf32, #tpu.memory_space<hbm>>
    tpu.enqueue_indirect_dma source(%dma_start3A_91 : memref<1000000x32xf32, #tpu.memory_space<hbm>>) target(%dma_start3A_85 : memref<128x32xf32, #tpu.memory_space<vmem>>) offsets(%dma_start3A_88 : memref<128xi32, #tpu.memory_space<vmem>>) semaphore(%arg21 : memref<!tpu.dma_semaphore, #tpu.memory_space<semaphore_mem>>)
    %dma_start3A_92 = arith.constant 2 : i32
    %dma_start3A_93 = arith.constant 256 : i32
    %dma_start3A_94 = arith.constant 0 : i32
    %dma_start3A_95 = tpu.memref_slice %arg14[%dma_start3A_93, %dma_start3A_94] : memref<512x32xf32, #tpu.memory_space<vmem>> -> memref<128x32xf32, #tpu.memory_space<vmem>>
    %dma_start3A_96 = arith.constant 0 : i32
    %dma_start3A_97 = tpu.memref_slice %arg10[%dma_start3A_92, %dma_start3A_96] : memref<4x128xi32, #tpu.memory_space<vmem>> -> memref<1x128xi32, #tpu.memory_space<vmem>>
    %dma_start3A_98 = tpu.memref_squeeze %dma_start3A_97 : memref<1x128xi32, #tpu.memory_space<vmem>> -> memref<128xi32, #tpu.memory_space<vmem>>
    %dma_start3A_99 = arith.constant 0 : i32
    %dma_start3A_100 = arith.constant 0 : i32
    %dma_start3A_101 = tpu.memref_slice %arg7[%dma_start3A_99, %dma_start3A_100] : memref<1000000x32xf32, #tpu.memory_space<hbm>> -> memref<1000000x32xf32, #tpu.memory_space<hbm>>
    tpu.enqueue_indirect_dma source(%dma_start3A_101 : memref<1000000x32xf32, #tpu.memory_space<hbm>>) target(%dma_start3A_95 : memref<128x32xf32, #tpu.memory_space<vmem>>) offsets(%dma_start3A_98 : memref<128xi32, #tpu.memory_space<vmem>>) semaphore(%arg21 : memref<!tpu.dma_semaphore, #tpu.memory_space<semaphore_mem>>)
    %dma_start3A_102 = arith.constant 2 : i32
    %dma_start3A_103 = arith.constant 256 : i32
    %dma_start3A_104 = arith.constant 0 : i32
    %dma_start3A_105 = tpu.memref_slice %arg15[%dma_start3A_103, %dma_start3A_104] : memref<512x32xf32, #tpu.memory_space<vmem>> -> memref<128x32xf32, #tpu.memory_space<vmem>>
    %dma_start3A_106 = arith.constant 0 : i32
    %dma_start3A_107 = tpu.memref_slice %arg11[%dma_start3A_102, %dma_start3A_106] : memref<4x128xi32, #tpu.memory_space<vmem>> -> memref<1x128xi32, #tpu.memory_space<vmem>>
    %dma_start3A_108 = tpu.memref_squeeze %dma_start3A_107 : memref<1x128xi32, #tpu.memory_space<vmem>> -> memref<128xi32, #tpu.memory_space<vmem>>
    %dma_start3A_109 = arith.constant 0 : i32
    %dma_start3A_110 = arith.constant 0 : i32
    %dma_start3A_111 = tpu.memref_slice %arg6[%dma_start3A_109, %dma_start3A_110] : memref<1000000x32xf32, #tpu.memory_space<hbm>> -> memref<1000000x32xf32, #tpu.memory_space<hbm>>
    tpu.enqueue_indirect_dma source(%dma_start3A_111 : memref<1000000x32xf32, #tpu.memory_space<hbm>>) target(%dma_start3A_105 : memref<128x32xf32, #tpu.memory_space<vmem>>) offsets(%dma_start3A_108 : memref<128xi32, #tpu.memory_space<vmem>>) semaphore(%arg21 : memref<!tpu.dma_semaphore, #tpu.memory_space<semaphore_mem>>)
    %dma_start3A_112 = arith.constant 2 : i32
    %dma_start3A_113 = arith.constant 256 : i32
    %dma_start3A_114 = arith.constant 0 : i32
    %dma_start3A_115 = tpu.memref_slice %arg16[%dma_start3A_113, %dma_start3A_114] : memref<512x32xf32, #tpu.memory_space<vmem>> -> memref<128x32xf32, #tpu.memory_space<vmem>>
    %dma_start3A_116 = arith.constant 0 : i32
    %dma_start3A_117 = tpu.memref_slice %arg12[%dma_start3A_112, %dma_start3A_116] : memref<4x128xi32, #tpu.memory_space<vmem>> -> memref<1x128xi32, #tpu.memory_space<vmem>>
    %dma_start3A_118 = tpu.memref_squeeze %dma_start3A_117 : memref<1x128xi32, #tpu.memory_space<vmem>> -> memref<128xi32, #tpu.memory_space<vmem>>
    %dma_start3A_119 = arith.constant 0 : i32
    %dma_start3A_120 = arith.constant 0 : i32
    %dma_start3A_121 = tpu.memref_slice %arg7[%dma_start3A_119, %dma_start3A_120] : memref<1000000x32xf32, #tpu.memory_space<hbm>> -> memref<1000000x32xf32, #tpu.memory_space<hbm>>
    tpu.enqueue_indirect_dma source(%dma_start3A_121 : memref<1000000x32xf32, #tpu.memory_space<hbm>>) target(%dma_start3A_115 : memref<128x32xf32, #tpu.memory_space<vmem>>) offsets(%dma_start3A_118 : memref<128xi32, #tpu.memory_space<vmem>>) semaphore(%arg21 : memref<!tpu.dma_semaphore, #tpu.memory_space<semaphore_mem>>)
    %dma_start3A_122 = arith.constant 3 : i32
    %dma_start3A_123 = arith.constant 384 : i32
    %dma_start3A_124 = arith.constant 0 : i32
    %dma_start3A_125 = tpu.memref_slice %arg13[%dma_start3A_123, %dma_start3A_124] : memref<512x32xf32, #tpu.memory_space<vmem>> -> memref<128x32xf32, #tpu.memory_space<vmem>>
    %dma_start3A_126 = arith.constant 0 : i32
    %dma_start3A_127 = tpu.memref_slice %arg9[%dma_start3A_122, %dma_start3A_126] : memref<4x128xi32, #tpu.memory_space<vmem>> -> memref<1x128xi32, #tpu.memory_space<vmem>>
    %dma_start3A_128 = tpu.memref_squeeze %dma_start3A_127 : memref<1x128xi32, #tpu.memory_space<vmem>> -> memref<128xi32, #tpu.memory_space<vmem>>
    %dma_start3A_129 = arith.constant 0 : i32
    %dma_start3A_130 = arith.constant 0 : i32
    %dma_start3A_131 = tpu.memref_slice %arg6[%dma_start3A_129, %dma_start3A_130] : memref<1000000x32xf32, #tpu.memory_space<hbm>> -> memref<1000000x32xf32, #tpu.memory_space<hbm>>
    tpu.enqueue_indirect_dma source(%dma_start3A_131 : memref<1000000x32xf32, #tpu.memory_space<hbm>>) target(%dma_start3A_125 : memref<128x32xf32, #tpu.memory_space<vmem>>) offsets(%dma_start3A_128 : memref<128xi32, #tpu.memory_space<vmem>>) semaphore(%arg21 : memref<!tpu.dma_semaphore, #tpu.memory_space<semaphore_mem>>)
    %dma_start3A_132 = arith.constant 3 : i32
    %dma_start3A_133 = arith.constant 384 : i32
    %dma_start3A_134 = arith.constant 0 : i32
    %dma_start3A_135 = tpu.memref_slice %arg14[%dma_start3A_133, %dma_start3A_134] : memref<512x32xf32, #tpu.memory_space<vmem>> -> memref<128x32xf32, #tpu.memory_space<vmem>>
    %dma_start3A_136 = arith.constant 0 : i32
    %dma_start3A_137 = tpu.memref_slice %arg10[%dma_start3A_132, %dma_start3A_136] : memref<4x128xi32, #tpu.memory_space<vmem>> -> memref<1x128xi32, #tpu.memory_space<vmem>>
    %dma_start3A_138 = tpu.memref_squeeze %dma_start3A_137 : memref<1x128xi32, #tpu.memory_space<vmem>> -> memref<128xi32, #tpu.memory_space<vmem>>
    %dma_start3A_139 = arith.constant 0 : i32
    %dma_start3A_140 = arith.constant 0 : i32
    %dma_start3A_141 = tpu.memref_slice %arg7[%dma_start3A_139, %dma_start3A_140] : memref<1000000x32xf32, #tpu.memory_space<hbm>> -> memref<1000000x32xf32, #tpu.memory_space<hbm>>
    tpu.enqueue_indirect_dma source(%dma_start3A_141 : memref<1000000x32xf32, #tpu.memory_space<hbm>>) target(%dma_start3A_135 : memref<128x32xf32, #tpu.memory_space<vmem>>) offsets(%dma_start3A_138 : memref<128xi32, #tpu.memory_space<vmem>>) semaphore(%arg21 : memref<!tpu.dma_semaphore, #tpu.memory_space<semaphore_mem>>)
    %dma_start3A_142 = arith.constant 3 : i32
    %dma_start3A_143 = arith.constant 384 : i32
    %dma_start3A_144 = arith.constant 0 : i32
    %dma_start3A_145 = tpu.memref_slice %arg15[%dma_start3A_143, %dma_start3A_144] : memref<512x32xf32, #tpu.memory_space<vmem>> -> memref<128x32xf32, #tpu.memory_space<vmem>>
    %dma_start3A_146 = arith.constant 0 : i32
    %dma_start3A_147 = tpu.memref_slice %arg11[%dma_start3A_142, %dma_start3A_146] : memref<4x128xi32, #tpu.memory_space<vmem>> -> memref<1x128xi32, #tpu.memory_space<vmem>>
    %dma_start3A_148 = tpu.memref_squeeze %dma_start3A_147 : memref<1x128xi32, #tpu.memory_space<vmem>> -> memref<128xi32, #tpu.memory_space<vmem>>
    %dma_start3A_149 = arith.constant 0 : i32
    %dma_start3A_150 = arith.constant 0 : i32
    %dma_start3A_151 = tpu.memref_slice %arg6[%dma_start3A_149, %dma_start3A_150] : memref<1000000x32xf32, #tpu.memory_space<hbm>> -> memref<1000000x32xf32, #tpu.memory_space<hbm>>
    tpu.enqueue_indirect_dma source(%dma_start3A_151 : memref<1000000x32xf32, #tpu.memory_space<hbm>>) target(%dma_start3A_145 : memref<128x32xf32, #tpu.memory_space<vmem>>) offsets(%dma_start3A_148 : memref<128xi32, #tpu.memory_space<vmem>>) semaphore(%arg21 : memref<!tpu.dma_semaphore, #tpu.memory_space<semaphore_mem>>)
    %dma_start3A_152 = arith.constant 3 : i32
    %dma_start3A_153 = arith.constant 384 : i32
    %dma_start3A_154 = arith.constant 0 : i32
    %dma_start3A_155 = tpu.memref_slice %arg16[%dma_start3A_153, %dma_start3A_154] : memref<512x32xf32, #tpu.memory_space<vmem>> -> memref<128x32xf32, #tpu.memory_space<vmem>>
    %dma_start3A_156 = arith.constant 0 : i32
    %dma_start3A_157 = tpu.memref_slice %arg12[%dma_start3A_152, %dma_start3A_156] : memref<4x128xi32, #tpu.memory_space<vmem>> -> memref<1x128xi32, #tpu.memory_space<vmem>>
    %dma_start3A_158 = tpu.memref_squeeze %dma_start3A_157 : memref<1x128xi32, #tpu.memory_space<vmem>> -> memref<128xi32, #tpu.memory_space<vmem>>
    %dma_start3A_159 = arith.constant 0 : i32
    %dma_start3A_160 = arith.constant 0 : i32
    %dma_start3A_161 = tpu.memref_slice %arg7[%dma_start3A_159, %dma_start3A_160] : memref<1000000x32xf32, #tpu.memory_space<hbm>> -> memref<1000000x32xf32, #tpu.memory_space<hbm>>
    tpu.enqueue_indirect_dma source(%dma_start3A_161 : memref<1000000x32xf32, #tpu.memory_space<hbm>>) target(%dma_start3A_155 : memref<128x32xf32, #tpu.memory_space<vmem>>) offsets(%dma_start3A_158 : memref<128xi32, #tpu.memory_space<vmem>>) semaphore(%arg21 : memref<!tpu.dma_semaphore, #tpu.memory_space<semaphore_mem>>)
    %dma_wait3A = arith.constant 0 : i32
    %dma_wait3A_162 = arith.constant 0 : i32
    %dma_wait3A_163 = arith.constant 0 : i32
    %dma_wait3A_164 = tpu.memref_slice %arg13[%dma_wait3A_162, %dma_wait3A_163] : memref<512x32xf32, #tpu.memory_space<vmem>> -> memref<128x32xf32, #tpu.memory_space<vmem>>
    %dma_wait3A_165 = arith.constant 0 : i32
    %dma_wait3A_166 = tpu.memref_slice %arg9[%dma_wait3A, %dma_wait3A_165] : memref<4x128xi32, #tpu.memory_space<vmem>> -> memref<1x128xi32, #tpu.memory_space<vmem>>
    %dma_wait3A_167 = tpu.memref_squeeze %dma_wait3A_166 : memref<1x128xi32, #tpu.memory_space<vmem>> -> memref<128xi32, #tpu.memory_space<vmem>>
    %dma_wait3A_168 = arith.constant 0 : i32
    %dma_wait3A_169 = arith.constant 0 : i32
    %dma_wait3A_170 = tpu.memref_slice %arg6[%dma_wait3A_168, %dma_wait3A_169] : memref<1000000x32xf32, #tpu.memory_space<hbm>> -> memref<1000000x32xf32, #tpu.memory_space<hbm>>
    tpu.wait_indirect_dma semaphore(%arg21 : memref<!tpu.dma_semaphore, #tpu.memory_space<semaphore_mem>>) src(%dma_wait3A_170 : memref<1000000x32xf32, #tpu.memory_space<hbm>>) dst(%dma_wait3A_164 : memref<128x32xf32, #tpu.memory_space<vmem>>)
    %dma_wait3A_171 = arith.constant 0 : i32
    %dma_wait3A_172 = arith.constant 0 : i32
    %dma_wait3A_173 = arith.constant 0 : i32
    %dma_wait3A_174 = tpu.memref_slice %arg14[%dma_wait3A_172, %dma_wait3A_173] : memref<512x32xf32, #tpu.memory_space<vmem>> -> memref<128x32xf32, #tpu.memory_space<vmem>>
    %dma_wait3A_175 = arith.constant 0 : i32
    %dma_wait3A_176 = tpu.memref_slice %arg10[%dma_wait3A_171, %dma_wait3A_175] : memref<4x128xi32, #tpu.memory_space<vmem>> -> memref<1x128xi32, #tpu.memory_space<vmem>>
    %dma_wait3A_177 = tpu.memref_squeeze %dma_wait3A_176 : memref<1x128xi32, #tpu.memory_space<vmem>> -> memref<128xi32, #tpu.memory_space<vmem>>
    %dma_wait3A_178 = arith.constant 0 : i32
    %dma_wait3A_179 = arith.constant 0 : i32
    %dma_wait3A_180 = tpu.memref_slice %arg7[%dma_wait3A_178, %dma_wait3A_179] : memref<1000000x32xf32, #tpu.memory_space<hbm>> -> memref<1000000x32xf32, #tpu.memory_space<hbm>>
    tpu.wait_indirect_dma semaphore(%arg21 : memref<!tpu.dma_semaphore, #tpu.memory_space<semaphore_mem>>) src(%dma_wait3A_180 : memref<1000000x32xf32, #tpu.memory_space<hbm>>) dst(%dma_wait3A_174 : memref<128x32xf32, #tpu.memory_space<vmem>>)
    %dma_wait3A_181 = arith.constant 0 : i32
    %dma_wait3A_182 = arith.constant 0 : i32
    %dma_wait3A_183 = arith.constant 0 : i32
    %dma_wait3A_184 = tpu.memref_slice %arg15[%dma_wait3A_182, %dma_wait3A_183] : memref<512x32xf32, #tpu.memory_space<vmem>> -> memref<128x32xf32, #tpu.memory_space<vmem>>
    %dma_wait3A_185 = arith.constant 0 : i32
    %dma_wait3A_186 = tpu.memref_slice %arg11[%dma_wait3A_181, %dma_wait3A_185] : memref<4x128xi32, #tpu.memory_space<vmem>> -> memref<1x128xi32, #tpu.memory_space<vmem>>
    %dma_wait3A_187 = tpu.memref_squeeze %dma_wait3A_186 : memref<1x128xi32, #tpu.memory_space<vmem>> -> memref<128xi32, #tpu.memory_space<vmem>>
    %dma_wait3A_188 = arith.constant 0 : i32
    %dma_wait3A_189 = arith.constant 0 : i32
    %dma_wait3A_190 = tpu.memref_slice %arg6[%dma_wait3A_188, %dma_wait3A_189] : memref<1000000x32xf32, #tpu.memory_space<hbm>> -> memref<1000000x32xf32, #tpu.memory_space<hbm>>
    tpu.wait_indirect_dma semaphore(%arg21 : memref<!tpu.dma_semaphore, #tpu.memory_space<semaphore_mem>>) src(%dma_wait3A_190 : memref<1000000x32xf32, #tpu.memory_space<hbm>>) dst(%dma_wait3A_184 : memref<128x32xf32, #tpu.memory_space<vmem>>)
    %dma_wait3A_191 = arith.constant 0 : i32
    %dma_wait3A_192 = arith.constant 0 : i32
    %dma_wait3A_193 = arith.constant 0 : i32
    %dma_wait3A_194 = tpu.memref_slice %arg16[%dma_wait3A_192, %dma_wait3A_193] : memref<512x32xf32, #tpu.memory_space<vmem>> -> memref<128x32xf32, #tpu.memory_space<vmem>>
    %dma_wait3A_195 = arith.constant 0 : i32
    %dma_wait3A_196 = tpu.memref_slice %arg12[%dma_wait3A_191, %dma_wait3A_195] : memref<4x128xi32, #tpu.memory_space<vmem>> -> memref<1x128xi32, #tpu.memory_space<vmem>>
    %dma_wait3A_197 = tpu.memref_squeeze %dma_wait3A_196 : memref<1x128xi32, #tpu.memory_space<vmem>> -> memref<128xi32, #tpu.memory_space<vmem>>
    %dma_wait3A_198 = arith.constant 0 : i32
    %dma_wait3A_199 = arith.constant 0 : i32
    %dma_wait3A_200 = tpu.memref_slice %arg7[%dma_wait3A_198, %dma_wait3A_199] : memref<1000000x32xf32, #tpu.memory_space<hbm>> -> memref<1000000x32xf32, #tpu.memory_space<hbm>>
    tpu.wait_indirect_dma semaphore(%arg21 : memref<!tpu.dma_semaphore, #tpu.memory_space<semaphore_mem>>) src(%dma_wait3A_200 : memref<1000000x32xf32, #tpu.memory_space<hbm>>) dst(%dma_wait3A_194 : memref<128x32xf32, #tpu.memory_space<vmem>>)
    %dma_wait3A_201 = arith.constant 1 : i32
    %dma_wait3A_202 = arith.constant 128 : i32
    %dma_wait3A_203 = arith.constant 0 : i32
    %dma_wait3A_204 = tpu.memref_slice %arg13[%dma_wait3A_202, %dma_wait3A_203] : memref<512x32xf32, #tpu.memory_space<vmem>> -> memref<128x32xf32, #tpu.memory_space<vmem>>
    %dma_wait3A_205 = arith.constant 0 : i32
    %dma_wait3A_206 = tpu.memref_slice %arg9[%dma_wait3A_201, %dma_wait3A_205] : memref<4x128xi32, #tpu.memory_space<vmem>> -> memref<1x128xi32, #tpu.memory_space<vmem>>
    %dma_wait3A_207 = tpu.memref_squeeze %dma_wait3A_206 : memref<1x128xi32, #tpu.memory_space<vmem>> -> memref<128xi32, #tpu.memory_space<vmem>>
    %dma_wait3A_208 = arith.constant 0 : i32
    %dma_wait3A_209 = arith.constant 0 : i32
    %dma_wait3A_210 = tpu.memref_slice %arg6[%dma_wait3A_208, %dma_wait3A_209] : memref<1000000x32xf32, #tpu.memory_space<hbm>> -> memref<1000000x32xf32, #tpu.memory_space<hbm>>
    tpu.wait_indirect_dma semaphore(%arg21 : memref<!tpu.dma_semaphore, #tpu.memory_space<semaphore_mem>>) src(%dma_wait3A_210 : memref<1000000x32xf32, #tpu.memory_space<hbm>>) dst(%dma_wait3A_204 : memref<128x32xf32, #tpu.memory_space<vmem>>)
    %dma_wait3A_211 = arith.constant 1 : i32
    %dma_wait3A_212 = arith.constant 128 : i32
    %dma_wait3A_213 = arith.constant 0 : i32
    %dma_wait3A_214 = tpu.memref_slice %arg14[%dma_wait3A_212, %dma_wait3A_213] : memref<512x32xf32, #tpu.memory_space<vmem>> -> memref<128x32xf32, #tpu.memory_space<vmem>>
    %dma_wait3A_215 = arith.constant 0 : i32
    %dma_wait3A_216 = tpu.memref_slice %arg10[%dma_wait3A_211, %dma_wait3A_215] : memref<4x128xi32, #tpu.memory_space<vmem>> -> memref<1x128xi32, #tpu.memory_space<vmem>>
    %dma_wait3A_217 = tpu.memref_squeeze %dma_wait3A_216 : memref<1x128xi32, #tpu.memory_space<vmem>> -> memref<128xi32, #tpu.memory_space<vmem>>
    %dma_wait3A_218 = arith.constant 0 : i32
    %dma_wait3A_219 = arith.constant 0 : i32
    %dma_wait3A_220 = tpu.memref_slice %arg7[%dma_wait3A_218, %dma_wait3A_219] : memref<1000000x32xf32, #tpu.memory_space<hbm>> -> memref<1000000x32xf32, #tpu.memory_space<hbm>>
    tpu.wait_indirect_dma semaphore(%arg21 : memref<!tpu.dma_semaphore, #tpu.memory_space<semaphore_mem>>) src(%dma_wait3A_220 : memref<1000000x32xf32, #tpu.memory_space<hbm>>) dst(%dma_wait3A_214 : memref<128x32xf32, #tpu.memory_space<vmem>>)
    %dma_wait3A_221 = arith.constant 1 : i32
    %dma_wait3A_222 = arith.constant 128 : i32
    %dma_wait3A_223 = arith.constant 0 : i32
    %dma_wait3A_224 = tpu.memref_slice %arg15[%dma_wait3A_222, %dma_wait3A_223] : memref<512x32xf32, #tpu.memory_space<vmem>> -> memref<128x32xf32, #tpu.memory_space<vmem>>
    %dma_wait3A_225 = arith.constant 0 : i32
    %dma_wait3A_226 = tpu.memref_slice %arg11[%dma_wait3A_221, %dma_wait3A_225] : memref<4x128xi32, #tpu.memory_space<vmem>> -> memref<1x128xi32, #tpu.memory_space<vmem>>
    %dma_wait3A_227 = tpu.memref_squeeze %dma_wait3A_226 : memref<1x128xi32, #tpu.memory_space<vmem>> -> memref<128xi32, #tpu.memory_space<vmem>>
    %dma_wait3A_228 = arith.constant 0 : i32
    %dma_wait3A_229 = arith.constant 0 : i32
    %dma_wait3A_230 = tpu.memref_slice %arg6[%dma_wait3A_228, %dma_wait3A_229] : memref<1000000x32xf32, #tpu.memory_space<hbm>> -> memref<1000000x32xf32, #tpu.memory_space<hbm>>
    tpu.wait_indirect_dma semaphore(%arg21 : memref<!tpu.dma_semaphore, #tpu.memory_space<semaphore_mem>>) src(%dma_wait3A_230 : memref<1000000x32xf32, #tpu.memory_space<hbm>>) dst(%dma_wait3A_224 : memref<128x32xf32, #tpu.memory_space<vmem>>)
    %dma_wait3A_231 = arith.constant 1 : i32
    %dma_wait3A_232 = arith.constant 128 : i32
    %dma_wait3A_233 = arith.constant 0 : i32
    %dma_wait3A_234 = tpu.memref_slice %arg16[%dma_wait3A_232, %dma_wait3A_233] : memref<512x32xf32, #tpu.memory_space<vmem>> -> memref<128x32xf32, #tpu.memory_space<vmem>>
    %dma_wait3A_235 = arith.constant 0 : i32
    %dma_wait3A_236 = tpu.memref_slice %arg12[%dma_wait3A_231, %dma_wait3A_235] : memref<4x128xi32, #tpu.memory_space<vmem>> -> memref<1x128xi32, #tpu.memory_space<vmem>>
    %dma_wait3A_237 = tpu.memref_squeeze %dma_wait3A_236 : memref<1x128xi32, #tpu.memory_space<vmem>> -> memref<128xi32, #tpu.memory_space<vmem>>
    %dma_wait3A_238 = arith.constant 0 : i32
    %dma_wait3A_239 = arith.constant 0 : i32
    %dma_wait3A_240 = tpu.memref_slice %arg7[%dma_wait3A_238, %dma_wait3A_239] : memref<1000000x32xf32, #tpu.memory_space<hbm>> -> memref<1000000x32xf32, #tpu.memory_space<hbm>>
    tpu.wait_indirect_dma semaphore(%arg21 : memref<!tpu.dma_semaphore, #tpu.memory_space<semaphore_mem>>) src(%dma_wait3A_240 : memref<1000000x32xf32, #tpu.memory_space<hbm>>) dst(%dma_wait3A_234 : memref<128x32xf32, #tpu.memory_space<vmem>>)
    %dma_wait3A_241 = arith.constant 2 : i32
    %dma_wait3A_242 = arith.constant 256 : i32
    %dma_wait3A_243 = arith.constant 0 : i32
    %dma_wait3A_244 = tpu.memref_slice %arg13[%dma_wait3A_242, %dma_wait3A_243] : memref<512x32xf32, #tpu.memory_space<vmem>> -> memref<128x32xf32, #tpu.memory_space<vmem>>
    %dma_wait3A_245 = arith.constant 0 : i32
    %dma_wait3A_246 = tpu.memref_slice %arg9[%dma_wait3A_241, %dma_wait3A_245] : memref<4x128xi32, #tpu.memory_space<vmem>> -> memref<1x128xi32, #tpu.memory_space<vmem>>
    %dma_wait3A_247 = tpu.memref_squeeze %dma_wait3A_246 : memref<1x128xi32, #tpu.memory_space<vmem>> -> memref<128xi32, #tpu.memory_space<vmem>>
    %dma_wait3A_248 = arith.constant 0 : i32
    %dma_wait3A_249 = arith.constant 0 : i32
    %dma_wait3A_250 = tpu.memref_slice %arg6[%dma_wait3A_248, %dma_wait3A_249] : memref<1000000x32xf32, #tpu.memory_space<hbm>> -> memref<1000000x32xf32, #tpu.memory_space<hbm>>
    tpu.wait_indirect_dma semaphore(%arg21 : memref<!tpu.dma_semaphore, #tpu.memory_space<semaphore_mem>>) src(%dma_wait3A_250 : memref<1000000x32xf32, #tpu.memory_space<hbm>>) dst(%dma_wait3A_244 : memref<128x32xf32, #tpu.memory_space<vmem>>)
    %dma_wait3A_251 = arith.constant 2 : i32
    %dma_wait3A_252 = arith.constant 256 : i32
    %dma_wait3A_253 = arith.constant 0 : i32
    %dma_wait3A_254 = tpu.memref_slice %arg14[%dma_wait3A_252, %dma_wait3A_253] : memref<512x32xf32, #tpu.memory_space<vmem>> -> memref<128x32xf32, #tpu.memory_space<vmem>>
    %dma_wait3A_255 = arith.constant 0 : i32
    %dma_wait3A_256 = tpu.memref_slice %arg10[%dma_wait3A_251, %dma_wait3A_255] : memref<4x128xi32, #tpu.memory_space<vmem>> -> memref<1x128xi32, #tpu.memory_space<vmem>>
    %dma_wait3A_257 = tpu.memref_squeeze %dma_wait3A_256 : memref<1x128xi32, #tpu.memory_space<vmem>> -> memref<128xi32, #tpu.memory_space<vmem>>
    %dma_wait3A_258 = arith.constant 0 : i32
    %dma_wait3A_259 = arith.constant 0 : i32
    %dma_wait3A_260 = tpu.memref_slice %arg7[%dma_wait3A_258, %dma_wait3A_259] : memref<1000000x32xf32, #tpu.memory_space<hbm>> -> memref<1000000x32xf32, #tpu.memory_space<hbm>>
    tpu.wait_indirect_dma semaphore(%arg21 : memref<!tpu.dma_semaphore, #tpu.memory_space<semaphore_mem>>) src(%dma_wait3A_260 : memref<1000000x32xf32, #tpu.memory_space<hbm>>) dst(%dma_wait3A_254 : memref<128x32xf32, #tpu.memory_space<vmem>>)
    %dma_wait3A_261 = arith.constant 2 : i32
    %dma_wait3A_262 = arith.constant 256 : i32
    %dma_wait3A_263 = arith.constant 0 : i32
    %dma_wait3A_264 = tpu.memref_slice %arg15[%dma_wait3A_262, %dma_wait3A_263] : memref<512x32xf32, #tpu.memory_space<vmem>> -> memref<128x32xf32, #tpu.memory_space<vmem>>
    %dma_wait3A_265 = arith.constant 0 : i32
    %dma_wait3A_266 = tpu.memref_slice %arg11[%dma_wait3A_261, %dma_wait3A_265] : memref<4x128xi32, #tpu.memory_space<vmem>> -> memref<1x128xi32, #tpu.memory_space<vmem>>
    %dma_wait3A_267 = tpu.memref_squeeze %dma_wait3A_266 : memref<1x128xi32, #tpu.memory_space<vmem>> -> memref<128xi32, #tpu.memory_space<vmem>>
    %dma_wait3A_268 = arith.constant 0 : i32
    %dma_wait3A_269 = arith.constant 0 : i32
    %dma_wait3A_270 = tpu.memref_slice %arg6[%dma_wait3A_268, %dma_wait3A_269] : memref<1000000x32xf32, #tpu.memory_space<hbm>> -> memref<1000000x32xf32, #tpu.memory_space<hbm>>
    tpu.wait_indirect_dma semaphore(%arg21 : memref<!tpu.dma_semaphore, #tpu.memory_space<semaphore_mem>>) src(%dma_wait3A_270 : memref<1000000x32xf32, #tpu.memory_space<hbm>>) dst(%dma_wait3A_264 : memref<128x32xf32, #tpu.memory_space<vmem>>)
    %dma_wait3A_271 = arith.constant 2 : i32
    %dma_wait3A_272 = arith.constant 256 : i32
    %dma_wait3A_273 = arith.constant 0 : i32
    %dma_wait3A_274 = tpu.memref_slice %arg16[%dma_wait3A_272, %dma_wait3A_273] : memref<512x32xf32, #tpu.memory_space<vmem>> -> memref<128x32xf32, #tpu.memory_space<vmem>>
    %dma_wait3A_275 = arith.constant 0 : i32
    %dma_wait3A_276 = tpu.memref_slice %arg12[%dma_wait3A_271, %dma_wait3A_275] : memref<4x128xi32, #tpu.memory_space<vmem>> -> memref<1x128xi32, #tpu.memory_space<vmem>>
    %dma_wait3A_277 = tpu.memref_squeeze %dma_wait3A_276 : memref<1x128xi32, #tpu.memory_space<vmem>> -> memref<128xi32, #tpu.memory_space<vmem>>
    %dma_wait3A_278 = arith.constant 0 : i32
    %dma_wait3A_279 = arith.constant 0 : i32
    %dma_wait3A_280 = tpu.memref_slice %arg7[%dma_wait3A_278, %dma_wait3A_279] : memref<1000000x32xf32, #tpu.memory_space<hbm>> -> memref<1000000x32xf32, #tpu.memory_space<hbm>>
    tpu.wait_indirect_dma semaphore(%arg21 : memref<!tpu.dma_semaphore, #tpu.memory_space<semaphore_mem>>) src(%dma_wait3A_280 : memref<1000000x32xf32, #tpu.memory_space<hbm>>) dst(%dma_wait3A_274 : memref<128x32xf32, #tpu.memory_space<vmem>>)
    %dma_wait3A_281 = arith.constant 3 : i32
    %dma_wait3A_282 = arith.constant 384 : i32
    %dma_wait3A_283 = arith.constant 0 : i32
    %dma_wait3A_284 = tpu.memref_slice %arg13[%dma_wait3A_282, %dma_wait3A_283] : memref<512x32xf32, #tpu.memory_space<vmem>> -> memref<128x32xf32, #tpu.memory_space<vmem>>
    %dma_wait3A_285 = arith.constant 0 : i32
    %dma_wait3A_286 = tpu.memref_slice %arg9[%dma_wait3A_281, %dma_wait3A_285] : memref<4x128xi32, #tpu.memory_space<vmem>> -> memref<1x128xi32, #tpu.memory_space<vmem>>
    %dma_wait3A_287 = tpu.memref_squeeze %dma_wait3A_286 : memref<1x128xi32, #tpu.memory_space<vmem>> -> memref<128xi32, #tpu.memory_space<vmem>>
    %dma_wait3A_288 = arith.constant 0 : i32
    %dma_wait3A_289 = arith.constant 0 : i32
    %dma_wait3A_290 = tpu.memref_slice %arg6[%dma_wait3A_288, %dma_wait3A_289] : memref<1000000x32xf32, #tpu.memory_space<hbm>> -> memref<1000000x32xf32, #tpu.memory_space<hbm>>
    tpu.wait_indirect_dma semaphore(%arg21 : memref<!tpu.dma_semaphore, #tpu.memory_space<semaphore_mem>>) src(%dma_wait3A_290 : memref<1000000x32xf32, #tpu.memory_space<hbm>>) dst(%dma_wait3A_284 : memref<128x32xf32, #tpu.memory_space<vmem>>)
    %dma_wait3A_291 = arith.constant 3 : i32
    %dma_wait3A_292 = arith.constant 384 : i32
    %dma_wait3A_293 = arith.constant 0 : i32
    %dma_wait3A_294 = tpu.memref_slice %arg14[%dma_wait3A_292, %dma_wait3A_293] : memref<512x32xf32, #tpu.memory_space<vmem>> -> memref<128x32xf32, #tpu.memory_space<vmem>>
    %dma_wait3A_295 = arith.constant 0 : i32
    %dma_wait3A_296 = tpu.memref_slice %arg10[%dma_wait3A_291, %dma_wait3A_295] : memref<4x128xi32, #tpu.memory_space<vmem>> -> memref<1x128xi32, #tpu.memory_space<vmem>>
    %dma_wait3A_297 = tpu.memref_squeeze %dma_wait3A_296 : memref<1x128xi32, #tpu.memory_space<vmem>> -> memref<128xi32, #tpu.memory_space<vmem>>
    %dma_wait3A_298 = arith.constant 0 : i32
    %dma_wait3A_299 = arith.constant 0 : i32
    %dma_wait3A_300 = tpu.memref_slice %arg7[%dma_wait3A_298, %dma_wait3A_299] : memref<1000000x32xf32, #tpu.memory_space<hbm>> -> memref<1000000x32xf32, #tpu.memory_space<hbm>>
    tpu.wait_indirect_dma semaphore(%arg21 : memref<!tpu.dma_semaphore, #tpu.memory_space<semaphore_mem>>) src(%dma_wait3A_300 : memref<1000000x32xf32, #tpu.memory_space<hbm>>) dst(%dma_wait3A_294 : memref<128x32xf32, #tpu.memory_space<vmem>>)
    %dma_wait3A_301 = arith.constant 3 : i32
    %dma_wait3A_302 = arith.constant 384 : i32
    %dma_wait3A_303 = arith.constant 0 : i32
    %dma_wait3A_304 = tpu.memref_slice %arg15[%dma_wait3A_302, %dma_wait3A_303] : memref<512x32xf32, #tpu.memory_space<vmem>> -> memref<128x32xf32, #tpu.memory_space<vmem>>
    %dma_wait3A_305 = arith.constant 0 : i32
    %dma_wait3A_306 = tpu.memref_slice %arg11[%dma_wait3A_301, %dma_wait3A_305] : memref<4x128xi32, #tpu.memory_space<vmem>> -> memref<1x128xi32, #tpu.memory_space<vmem>>
    %dma_wait3A_307 = tpu.memref_squeeze %dma_wait3A_306 : memref<1x128xi32, #tpu.memory_space<vmem>> -> memref<128xi32, #tpu.memory_space<vmem>>
    %dma_wait3A_308 = arith.constant 0 : i32
    %dma_wait3A_309 = arith.constant 0 : i32
    %dma_wait3A_310 = tpu.memref_slice %arg6[%dma_wait3A_308, %dma_wait3A_309] : memref<1000000x32xf32, #tpu.memory_space<hbm>> -> memref<1000000x32xf32, #tpu.memory_space<hbm>>
    tpu.wait_indirect_dma semaphore(%arg21 : memref<!tpu.dma_semaphore, #tpu.memory_space<semaphore_mem>>) src(%dma_wait3A_310 : memref<1000000x32xf32, #tpu.memory_space<hbm>>) dst(%dma_wait3A_304 : memref<128x32xf32, #tpu.memory_space<vmem>>)
    %dma_wait3A_311 = arith.constant 3 : i32
    %dma_wait3A_312 = arith.constant 384 : i32
    %dma_wait3A_313 = arith.constant 0 : i32
    %dma_wait3A_314 = tpu.memref_slice %arg16[%dma_wait3A_312, %dma_wait3A_313] : memref<512x32xf32, #tpu.memory_space<vmem>> -> memref<128x32xf32, #tpu.memory_space<vmem>>
    %dma_wait3A_315 = arith.constant 0 : i32
    %dma_wait3A_316 = tpu.memref_slice %arg12[%dma_wait3A_311, %dma_wait3A_315] : memref<4x128xi32, #tpu.memory_space<vmem>> -> memref<1x128xi32, #tpu.memory_space<vmem>>
    %dma_wait3A_317 = tpu.memref_squeeze %dma_wait3A_316 : memref<1x128xi32, #tpu.memory_space<vmem>> -> memref<128xi32, #tpu.memory_space<vmem>>
    %dma_wait3A_318 = arith.constant 0 : i32
    %dma_wait3A_319 = arith.constant 0 : i32
    %dma_wait3A_320 = tpu.memref_slice %arg7[%dma_wait3A_318, %dma_wait3A_319] : memref<1000000x32xf32, #tpu.memory_space<hbm>> -> memref<1000000x32xf32, #tpu.memory_space<hbm>>
    tpu.wait_indirect_dma semaphore(%arg21 : memref<!tpu.dma_semaphore, #tpu.memory_space<semaphore_mem>>) src(%dma_wait3A_320 : memref<1000000x32xf32, #tpu.memory_space<hbm>>) dst(%dma_wait3A_314 : memref<128x32xf32, #tpu.memory_space<vmem>>)
    %iota3A = tpu.iota {dimensions = array<i32: 0>} : vector<16xi32>
    %scan3A = arith.constant 0 : i32
    %scan3A_321 = arith.constant 0 : i32
    %scan3A_322 = arith.constant 512 : i32
    %scan3A_323 = arith.addi %scan3A_321, %scan3A_322 : i32
    %scan3A_324 = arith.constant 1 : i32
    %scan3A_325 = scf.for %scan3A_335 = %scan3A_321 to %scan3A_323 step %scan3A_324 iter_args(%scan3A_336 = %scan3A) -> (i32)  : i32 {
      %get3A = arith.index_cast %scan3A_335 : i32 to index
      %get3A_337 = arith.constant 0 : index
      %get3A_338 = tpu.vector_load %arg13[%get3A, %get3A_337] {strides = array<i32>} : memref<512x32xf32, #tpu.memory_space<vmem>>, vector<16xf32>,
      %get3A_339 = arith.index_cast %scan3A_335 : i32 to index
      %get3A_340 = arith.constant 0 : index
      %get3A_341 = tpu.vector_load %arg14[%get3A_339, %get3A_340] {strides = array<i32>} : memref<512x32xf32, #tpu.memory_space<vmem>>, vector<16xf32>,
      %mul3A_342 = arith.mulf %get3A_338, %get3A_341 : vector<16xf32>
      %get3A_343 = arith.index_cast %scan3A_335 : i32 to index
      %get3A_344 = arith.constant 16 : index
      %get3A_345 = tpu.vector_load %arg13[%get3A_343, %get3A_344] {strides = array<i32>} : memref<512x32xf32, #tpu.memory_space<vmem>>, vector<16xf32>,
      %get3A_346 = arith.index_cast %scan3A_335 : i32 to index
      %get3A_347 = arith.constant 16 : index
      %get3A_348 = tpu.vector_load %arg14[%get3A_346, %get3A_347] {strides = array<i32>} : memref<512x32xf32, #tpu.memory_space<vmem>>, vector<16xf32>,
      %mul3A_349 = arith.mulf %get3A_345, %get3A_348 : vector<16xf32>
      %add3A_350 = arith.addf %mul3A_342, %mul3A_349 : vector<16xf32>
      %mul3A_351 = arith.constant 17 : i32
      %mul3A_352 = arith.muli %scan3A_335, %mul3A_351 : i32
      %swap3A = arith.index_cast %mul3A_352 : i32 to index
      %swap3A_353 = tpu.vector_load %arg17[%swap3A] {strides = array<i32>} : memref<8704xf32, #tpu.memory_space<vmem>>, vector<16xf32>,
      tpu.vector_store %arg17[%swap3A], %add3A_350 {strides = array<i32>} : memref<8704xf32, #tpu.memory_space<vmem>>, vector<16xf32>,
      %get3A_354 = arith.index_cast %scan3A_335 : i32 to index
      %get3A_355 = arith.constant 0 : index
      %get3A_356 = tpu.vector_load %arg15[%get3A_354, %get3A_355] {strides = array<i32>} : memref<512x32xf32, #tpu.memory_space<vmem>>, vector<16xf32>,
      %get3A_357 = arith.index_cast %scan3A_335 : i32 to index
      %get3A_358 = arith.constant 0 : index
      %get3A_359 = tpu.vector_load %arg16[%get3A_357, %get3A_358] {strides = array<i32>} : memref<512x32xf32, #tpu.memory_space<vmem>>, vector<16xf32>,
      %mul3A_360 = arith.mulf %get3A_356, %get3A_359 : vector<16xf32>
      %get3A_361 = arith.index_cast %scan3A_335 : i32 to index
      %get3A_362 = arith.constant 16 : index
      %get3A_363 = tpu.vector_load %arg15[%get3A_361, %get3A_362] {strides = array<i32>} : memref<512x32xf32, #tpu.memory_space<vmem>>, vector<16xf32>,
      %get3A_364 = arith.index_cast %scan3A_335 : i32 to index
      %get3A_365 = arith.constant 16 : index
      %get3A_366 = tpu.vector_load %arg16[%get3A_364, %get3A_365] {strides = array<i32>} : memref<512x32xf32, #tpu.memory_space<vmem>>, vector<16xf32>,
      %mul3A_367 = arith.mulf %get3A_363, %get3A_366 : vector<16xf32>
      %add3A_368 = arith.addf %mul3A_360, %mul3A_367 : vector<16xf32>
      %mul3A_369 = arith.constant 17 : i32
      %mul3A_370 = arith.muli %scan3A_335, %mul3A_369 : i32
      %swap3A_371 = arith.index_cast %mul3A_370 : i32 to index
      %swap3A_372 = tpu.vector_load %arg18[%swap3A_371] {strides = array<i32>} : memref<8704xf32, #tpu.memory_space<vmem>>, vector<16xf32>,
      tpu.vector_store %arg18[%swap3A_371], %add3A_368 {strides = array<i32>} : memref<8704xf32, #tpu.memory_space<vmem>>, vector<16xf32>,
      %scan3A_373 = arith.constant 0 : i32
      scf.yield %scan3A_373 : i32
    }
    %scan3A_326 = arith.constant 512 : i32
    %scan3A_327 = arith.constant 0 : i32
    %scan3A_328 = arith.constant 0 : i32
    %scan3A_329 = arith.constant 32 : i32
    %scan3A_330 = arith.addi %scan3A_328, %scan3A_329 : i32
    %scan3A_331 = arith.constant 1 : i32
    %scan3A_332 = scf.for %scan3A_335 = %scan3A_328 to %scan3A_330 step %scan3A_331 iter_args(%scan3A_336 = %scan3A_327) -> (i32)  : i32 {
      %mul3A_337 = arith.constant 16 : i32
      %mul3A_338 = arith.muli %scan3A_335, %mul3A_337 : i32
      %add3A_339 = vector.broadcast %mul3A_338 : i32 to vector<16xi32>
      %add3A_340 = arith.addi %add3A_339, %iota3A : vector<16xi32>
      %mul3A_341 = arith.constant 17 : i32
      %mul3A_342 = vector.broadcast %mul3A_341 : i32 to vector<16xi32>
      %mul3A_343 = arith.muli %add3A_340, %mul3A_342 : vector<16xi32>
      %broadcast_in_dim3A = arith.constant 0.000000e+00 : f32
      %broadcast_in_dim3A_344 = vector.broadcast %broadcast_in_dim3A : f32 to vector<16xf32>
      %broadcast_in_dim3A_345 = arith.constant 0.000000e+00 : f32
      %broadcast_in_dim3A_346 = vector.broadcast %broadcast_in_dim3A_345 : f32 to vector<16xf32>
      %add3A_347 = arith.constant 0 : i32
      %add3A_348 = vector.broadcast %add3A_347 : i32 to vector<16xi32>
      %add3A_349 = arith.addi %mul3A_343, %add3A_348 : vector<16xi32>
      %gather3A = tpu.vector_load_idx %arg17[%add3A_349] : memref<8704xf32, #tpu.memory_space<vmem>>[vector<16xi32>], vector<16xf32>,
      %add3A_350 = arith.addf %broadcast_in_dim3A_344, %gather3A : vector<16xf32>
      %add3A_351 = arith.constant 0 : i32
      %add3A_352 = vector.broadcast %add3A_351 : i32 to vector<16xi32>
      %add3A_353 = arith.addi %mul3A_343, %add3A_352 : vector<16xi32>
      %gather3A_354 = tpu.vector_load_idx %arg18[%add3A_353] : memref<8704xf32, #tpu.memory_space<vmem>>[vector<16xi32>], vector<16xf32>,
      %add3A_355 = arith.addf %broadcast_in_dim3A_346, %gather3A_354 : vector<16xf32>
      %add3A_356 = arith.constant 1 : i32
      %add3A_357 = vector.broadcast %add3A_356 : i32 to vector<16xi32>
      %add3A_358 = arith.addi %mul3A_343, %add3A_357 : vector<16xi32>
      %gather3A_359 = tpu.vector_load_idx %arg17[%add3A_358] : memref<8704xf32, #tpu.memory_space<vmem>>[vector<16xi32>], vector<16xf32>,
      %add3A_360 = arith.addf %add3A_350, %gather3A_359 : vector<16xf32>
      %add3A_361 = arith.constant 1 : i32
      %add3A_362 = vector.broadcast %add3A_361 : i32 to vector<16xi32>
      %add3A_363 = arith.addi %mul3A_343, %add3A_362 : vector<16xi32>
      %gather3A_364 = tpu.vector_load_idx %arg18[%add3A_363] : memref<8704xf32, #tpu.memory_space<vmem>>[vector<16xi32>], vector<16xf32>,
      %add3A_365 = arith.addf %add3A_355, %gather3A_364 : vector<16xf32>
      %add3A_366 = arith.constant 2 : i32
      %add3A_367 = vector.broadcast %add3A_366 : i32 to vector<16xi32>
      %add3A_368 = arith.addi %mul3A_343, %add3A_367 : vector<16xi32>
      %gather3A_369 = tpu.vector_load_idx %arg17[%add3A_368] : memref<8704xf32, #tpu.memory_space<vmem>>[vector<16xi32>], vector<16xf32>,
      %add3A_370 = arith.addf %add3A_360, %gather3A_369 : vector<16xf32>
      %add3A_371 = arith.constant 2 : i32
      %add3A_372 = vector.broadcast %add3A_371 : i32 to vector<16xi32>
      %add3A_373 = arith.addi %mul3A_343, %add3A_372 : vector<16xi32>
      %gather3A_374 = tpu.vector_load_idx %arg18[%add3A_373] : memref<8704xf32, #tpu.memory_space<vmem>>[vector<16xi32>], vector<16xf32>,
      %add3A_375 = arith.addf %add3A_365, %gather3A_374 : vector<16xf32>
      %add3A_376 = arith.constant 3 : i32
      %add3A_377 = vector.broadcast %add3A_376 : i32 to vector<16xi32>
      %add3A_378 = arith.addi %mul3A_343, %add3A_377 : vector<16xi32>
      %gather3A_379 = tpu.vector_load_idx %arg17[%add3A_378] : memref<8704xf32, #tpu.memory_space<vmem>>[vector<16xi32>], vector<16xf32>,
      %add3A_380 = arith.addf %add3A_370, %gather3A_379 : vector<16xf32>
      %add3A_381 = arith.constant 3 : i32
      %add3A_382 = vector.broadcast %add3A_381 : i32 to vector<16xi32>
      %add3A_383 = arith.addi %mul3A_343, %add3A_382 : vector<16xi32>
      %gather3A_384 = tpu.vector_load_idx %arg18[%add3A_383] : memref<8704xf32, #tpu.memory_space<vmem>>[vector<16xi32>], vector<16xf32>,
      %add3A_385 = arith.addf %add3A_375, %gather3A_384 : vector<16xf32>
      %add3A_386 = arith.constant 4 : i32
      %add3A_387 = vector.broadcast %add3A_386 : i32 to vector<16xi32>
      %add3A_388 = arith.addi %mul3A_343, %add3A_387 : vector<16xi32>
      %gather3A_389 = tpu.vector_load_idx %arg17[%add3A_388] : memref<8704xf32, #tpu.memory_space<vmem>>[vector<16xi32>], vector<16xf32>,
      %add3A_390 = arith.addf %add3A_380, %gather3A_389 : vector<16xf32>
      %add3A_391 = arith.constant 4 : i32
      %add3A_392 = vector.broadcast %add3A_391 : i32 to vector<16xi32>
      %add3A_393 = arith.addi %mul3A_343, %add3A_392 : vector<16xi32>
      %gather3A_394 = tpu.vector_load_idx %arg18[%add3A_393] : memref<8704xf32, #tpu.memory_space<vmem>>[vector<16xi32>], vector<16xf32>,
      %add3A_395 = arith.addf %add3A_385, %gather3A_394 : vector<16xf32>
      %add3A_396 = arith.constant 5 : i32
      %add3A_397 = vector.broadcast %add3A_396 : i32 to vector<16xi32>
      %add3A_398 = arith.addi %mul3A_343, %add3A_397 : vector<16xi32>
      %gather3A_399 = tpu.vector_load_idx %arg17[%add3A_398] : memref<8704xf32, #tpu.memory_space<vmem>>[vector<16xi32>], vector<16xf32>,
      %add3A_400 = arith.addf %add3A_390, %gather3A_399 : vector<16xf32>
      %add3A_401 = arith.constant 5 : i32
      %add3A_402 = vector.broadcast %add3A_401 : i32 to vector<16xi32>
      %add3A_403 = arith.addi %mul3A_343, %add3A_402 : vector<16xi32>
      %gather3A_404 = tpu.vector_load_idx %arg18[%add3A_403] : memref<8704xf32, #tpu.memory_space<vmem>>[vector<16xi32>], vector<16xf32>,
      %add3A_405 = arith.addf %add3A_395, %gather3A_404 : vector<16xf32>
      %add3A_406 = arith.constant 6 : i32
      %add3A_407 = vector.broadcast %add3A_406 : i32 to vector<16xi32>
      %add3A_408 = arith.addi %mul3A_343, %add3A_407 : vector<16xi32>
      %gather3A_409 = tpu.vector_load_idx %arg17[%add3A_408] : memref<8704xf32, #tpu.memory_space<vmem>>[vector<16xi32>], vector<16xf32>,
      %add3A_410 = arith.addf %add3A_400, %gather3A_409 : vector<16xf32>
      %add3A_411 = arith.constant 6 : i32
      %add3A_412 = vector.broadcast %add3A_411 : i32 to vector<16xi32>
      %add3A_413 = arith.addi %mul3A_343, %add3A_412 : vector<16xi32>
      %gather3A_414 = tpu.vector_load_idx %arg18[%add3A_413] : memref<8704xf32, #tpu.memory_space<vmem>>[vector<16xi32>], vector<16xf32>,
      %add3A_415 = arith.addf %add3A_405, %gather3A_414 : vector<16xf32>
      %add3A_416 = arith.constant 7 : i32
      %add3A_417 = vector.broadcast %add3A_416 : i32 to vector<16xi32>
      %add3A_418 = arith.addi %mul3A_343, %add3A_417 : vector<16xi32>
      %gather3A_419 = tpu.vector_load_idx %arg17[%add3A_418] : memref<8704xf32, #tpu.memory_space<vmem>>[vector<16xi32>], vector<16xf32>,
      %add3A_420 = arith.addf %add3A_410, %gather3A_419 : vector<16xf32>
      %add3A_421 = arith.constant 7 : i32
      %add3A_422 = vector.broadcast %add3A_421 : i32 to vector<16xi32>
      %add3A_423 = arith.addi %mul3A_343, %add3A_422 : vector<16xi32>
      %gather3A_424 = tpu.vector_load_idx %arg18[%add3A_423] : memref<8704xf32, #tpu.memory_space<vmem>>[vector<16xi32>], vector<16xf32>,
      %add3A_425 = arith.addf %add3A_415, %gather3A_424 : vector<16xf32>
      %add3A_426 = arith.constant 8 : i32
      %add3A_427 = vector.broadcast %add3A_426 : i32 to vector<16xi32>
      %add3A_428 = arith.addi %mul3A_343, %add3A_427 : vector<16xi32>
      %gather3A_429 = tpu.vector_load_idx %arg17[%add3A_428] : memref<8704xf32, #tpu.memory_space<vmem>>[vector<16xi32>], vector<16xf32>,
      %add3A_430 = arith.addf %add3A_420, %gather3A_429 : vector<16xf32>
      %add3A_431 = arith.constant 8 : i32
      %add3A_432 = vector.broadcast %add3A_431 : i32 to vector<16xi32>
      %add3A_433 = arith.addi %mul3A_343, %add3A_432 : vector<16xi32>
      %gather3A_434 = tpu.vector_load_idx %arg18[%add3A_433] : memref<8704xf32, #tpu.memory_space<vmem>>[vector<16xi32>], vector<16xf32>,
      %add3A_435 = arith.addf %add3A_425, %gather3A_434 : vector<16xf32>
      %add3A_436 = arith.constant 9 : i32
      %add3A_437 = vector.broadcast %add3A_436 : i32 to vector<16xi32>
      %add3A_438 = arith.addi %mul3A_343, %add3A_437 : vector<16xi32>
      %gather3A_439 = tpu.vector_load_idx %arg17[%add3A_438] : memref<8704xf32, #tpu.memory_space<vmem>>[vector<16xi32>], vector<16xf32>,
      %add3A_440 = arith.addf %add3A_430, %gather3A_439 : vector<16xf32>
      %add3A_441 = arith.constant 9 : i32
      %add3A_442 = vector.broadcast %add3A_441 : i32 to vector<16xi32>
      %add3A_443 = arith.addi %mul3A_343, %add3A_442 : vector<16xi32>
      %gather3A_444 = tpu.vector_load_idx %arg18[%add3A_443] : memref<8704xf32, #tpu.memory_space<vmem>>[vector<16xi32>], vector<16xf32>,
      %add3A_445 = arith.addf %add3A_435, %gather3A_444 : vector<16xf32>
      %add3A_446 = arith.constant 10 : i32
      %add3A_447 = vector.broadcast %add3A_446 : i32 to vector<16xi32>
      %add3A_448 = arith.addi %mul3A_343, %add3A_447 : vector<16xi32>
      %gather3A_449 = tpu.vector_load_idx %arg17[%add3A_448] : memref<8704xf32, #tpu.memory_space<vmem>>[vector<16xi32>], vector<16xf32>,
      %add3A_450 = arith.addf %add3A_440, %gather3A_449 : vector<16xf32>
      %add3A_451 = arith.constant 10 : i32
      %add3A_452 = vector.broadcast %add3A_451 : i32 to vector<16xi32>
      %add3A_453 = arith.addi %mul3A_343, %add3A_452 : vector<16xi32>
      %gather3A_454 = tpu.vector_load_idx %arg18[%add3A_453] : memref<8704xf32, #tpu.memory_space<vmem>>[vector<16xi32>], vector<16xf32>,
      %add3A_455 = arith.addf %add3A_445, %gather3A_454 : vector<16xf32>
      %add3A_456 = arith.constant 11 : i32
      %add3A_457 = vector.broadcast %add3A_456 : i32 to vector<16xi32>
      %add3A_458 = arith.addi %mul3A_343, %add3A_457 : vector<16xi32>
      %gather3A_459 = tpu.vector_load_idx %arg17[%add3A_458] : memref<8704xf32, #tpu.memory_space<vmem>>[vector<16xi32>], vector<16xf32>,
      %add3A_460 = arith.addf %add3A_450, %gather3A_459 : vector<16xf32>
      %add3A_461 = arith.constant 11 : i32
      %add3A_462 = vector.broadcast %add3A_461 : i32 to vector<16xi32>
      %add3A_463 = arith.addi %mul3A_343, %add3A_462 : vector<16xi32>
      %gather3A_464 = tpu.vector_load_idx %arg18[%add3A_463] : memref<8704xf32, #tpu.memory_space<vmem>>[vector<16xi32>], vector<16xf32>,
      %add3A_465 = arith.addf %add3A_455, %gather3A_464 : vector<16xf32>
      %add3A_466 = arith.constant 12 : i32
      %add3A_467 = vector.broadcast %add3A_466 : i32 to vector<16xi32>
      %add3A_468 = arith.addi %mul3A_343, %add3A_467 : vector<16xi32>
      %gather3A_469 = tpu.vector_load_idx %arg17[%add3A_468] : memref<8704xf32, #tpu.memory_space<vmem>>[vector<16xi32>], vector<16xf32>,
      %add3A_470 = arith.addf %add3A_460, %gather3A_469 : vector<16xf32>
      %add3A_471 = arith.constant 12 : i32
      %add3A_472 = vector.broadcast %add3A_471 : i32 to vector<16xi32>
      %add3A_473 = arith.addi %mul3A_343, %add3A_472 : vector<16xi32>
      %gather3A_474 = tpu.vector_load_idx %arg18[%add3A_473] : memref<8704xf32, #tpu.memory_space<vmem>>[vector<16xi32>], vector<16xf32>,
      %add3A_475 = arith.addf %add3A_465, %gather3A_474 : vector<16xf32>
      %add3A_476 = arith.constant 13 : i32
      %add3A_477 = vector.broadcast %add3A_476 : i32 to vector<16xi32>
      %add3A_478 = arith.addi %mul3A_343, %add3A_477 : vector<16xi32>
      %gather3A_479 = tpu.vector_load_idx %arg17[%add3A_478] : memref<8704xf32, #tpu.memory_space<vmem>>[vector<16xi32>], vector<16xf32>,
      %add3A_480 = arith.addf %add3A_470, %gather3A_479 : vector<16xf32>
      %add3A_481 = arith.constant 13 : i32
      %add3A_482 = vector.broadcast %add3A_481 : i32 to vector<16xi32>
      %add3A_483 = arith.addi %mul3A_343, %add3A_482 : vector<16xi32>
      %gather3A_484 = tpu.vector_load_idx %arg18[%add3A_483] : memref<8704xf32, #tpu.memory_space<vmem>>[vector<16xi32>], vector<16xf32>,
      %add3A_485 = arith.addf %add3A_475, %gather3A_484 : vector<16xf32>
      %add3A_486 = arith.constant 14 : i32
      %add3A_487 = vector.broadcast %add3A_486 : i32 to vector<16xi32>
      %add3A_488 = arith.addi %mul3A_343, %add3A_487 : vector<16xi32>
      %gather3A_489 = tpu.vector_load_idx %arg17[%add3A_488] : memref<8704xf32, #tpu.memory_space<vmem>>[vector<16xi32>], vector<16xf32>,
      %add3A_490 = arith.addf %add3A_480, %gather3A_489 : vector<16xf32>
      %add3A_491 = arith.constant 14 : i32
      %add3A_492 = vector.broadcast %add3A_491 : i32 to vector<16xi32>
      %add3A_493 = arith.addi %mul3A_343, %add3A_492 : vector<16xi32>
      %gather3A_494 = tpu.vector_load_idx %arg18[%add3A_493] : memref<8704xf32, #tpu.memory_space<vmem>>[vector<16xi32>], vector<16xf32>,
      %add3A_495 = arith.addf %add3A_485, %gather3A_494 : vector<16xf32>
      %add3A_496 = arith.constant 15 : i32
      %add3A_497 = vector.broadcast %add3A_496 : i32 to vector<16xi32>
      %add3A_498 = arith.addi %mul3A_343, %add3A_497 : vector<16xi32>
      %gather3A_499 = tpu.vector_load_idx %arg17[%add3A_498] : memref<8704xf32, #tpu.memory_space<vmem>>[vector<16xi32>], vector<16xf32>,
      %add3A_500 = arith.addf %add3A_490, %gather3A_499 : vector<16xf32>
      %add3A_501 = arith.constant 15 : i32
      %add3A_502 = vector.broadcast %add3A_501 : i32 to vector<16xi32>
      %add3A_503 = arith.addi %mul3A_343, %add3A_502 : vector<16xi32>
      %gather3A_504 = tpu.vector_load_idx %arg18[%add3A_503] : memref<8704xf32, #tpu.memory_space<vmem>>[vector<16xi32>], vector<16xf32>,
      %add3A_505 = arith.addf %add3A_495, %gather3A_504 : vector<16xf32>
      %swap3A = arith.index_cast %scan3A_335 : i32 to index
      %swap3A_506 = arith.constant 0 : index
      %swap3A_507 = tpu.vector_load %arg19[%swap3A, %swap3A_506] {strides = array<i32>} : memref<32x16xf32, #tpu.memory_space<vmem>>, vector<16xf32>,
      tpu.vector_store %arg19[%swap3A, %swap3A_506], %add3A_500 {strides = array<i32>} : memref<32x16xf32, #tpu.memory_space<vmem>>, vector<16xf32>,
      %swap3A_508 = arith.index_cast %scan3A_335 : i32 to index
      %swap3A_509 = arith.constant 0 : index
      %swap3A_510 = tpu.vector_load %arg20[%swap3A_508, %swap3A_509] {strides = array<i32>} : memref<32x16xf32, #tpu.memory_space<vmem>>, vector<16xf32>,
      tpu.vector_store %arg20[%swap3A_508, %swap3A_509], %add3A_505 {strides = array<i32>} : memref<32x16xf32, #tpu.memory_space<vmem>>, vector<16xf32>,
      %scan3A_511 = arith.constant 0 : i32
      scf.yield %scan3A_511 : i32
    }
    %scan3A_333 = arith.constant 32 : i32
    %run_scoped3A = arith.constant 0 : i32
    "tpu.region"() ({
      %run_scoped3A_335 = tpu.sem_alloc : memref<!tpu.dma_semaphore, #tpu.memory_space<semaphore_mem>>
      %dma_start3A_336 = arith.constant 0 : i32
      %dma_start3A_337 = arith.constant 0 : i32
      %dma_start3A_338 = tpu.memref_slice %arg8[%run_scoped3A, %add3A, %dma_start3A_336, %dma_start3A_337] : memref<2x32x32x16xf32, #tpu.memory_space<hbm>> -> memref<1x1x32x16xf32, #tpu.memory_space<hbm>>
      %dma_start3A_339 = tpu.memref_squeeze %dma_start3A_338 : memref<1x1x32x16xf32, #tpu.memory_space<hbm>> -> memref<32x16xf32, #tpu.memory_space<hbm>>
      %dma_start3A_340 = arith.constant 0 : i32
      %dma_start3A_341 = arith.constant 0 : i32
      %dma_start3A_342 = tpu.memref_slice %arg8[%run_scoped3A, %add3A, %dma_start3A_340, %dma_start3A_341] : memref<2x32x32x16xf32, #tpu.memory_space<hbm>> -> memref<1x1x32x16xf32, #tpu.memory_space<hbm>>
      %dma_start3A_343 = tpu.memref_squeeze %dma_start3A_342 : memref<1x1x32x16xf32, #tpu.memory_space<hbm>> -> memref<32x16xf32, #tpu.memory_space<hbm>>
      tpu.enqueue_dma source(%arg19 : memref<32x16xf32, #tpu.memory_space<vmem>>) target(%dma_start3A_343 : memref<32x16xf32, #tpu.memory_space<hbm>>) target_semaphore(%run_scoped3A_335 : memref<!tpu.dma_semaphore, #tpu.memory_space<semaphore_mem>>)
      %dma_wait3A_344 = arith.constant 0 : i32
      %dma_wait3A_345 = arith.constant 0 : i32
      %dma_wait3A_346 = tpu.memref_slice %arg8[%run_scoped3A, %add3A, %dma_wait3A_344, %dma_wait3A_345] : memref<2x32x32x16xf32, #tpu.memory_space<hbm>> -> memref<1x1x32x16xf32, #tpu.memory_space<hbm>>
      %dma_wait3A_347 = tpu.memref_squeeze %dma_wait3A_346 : memref<1x1x32x16xf32, #tpu.memory_space<hbm>> -> memref<32x16xf32, #tpu.memory_space<hbm>>
      %dma_wait3A_348 = arith.constant 0 : i32
      %dma_wait3A_349 = arith.constant 0 : i32
      %dma_wait3A_350 = tpu.memref_slice %arg8[%run_scoped3A, %add3A, %dma_wait3A_348, %dma_wait3A_349] : memref<2x32x32x16xf32, #tpu.memory_space<hbm>> -> memref<1x1x32x16xf32, #tpu.memory_space<hbm>>
      %dma_wait3A_351 = tpu.memref_squeeze %dma_wait3A_350 : memref<1x1x32x16xf32, #tpu.memory_space<hbm>> -> memref<32x16xf32, #tpu.memory_space<hbm>>
      tpu.wait_dma2 semaphore(%run_scoped3A_335 : memref<!tpu.dma_semaphore, #tpu.memory_space<semaphore_mem>>) src(%arg19 : memref<32x16xf32, #tpu.memory_space<vmem>>) dst(%dma_wait3A_351 : memref<32x16xf32, #tpu.memory_space<hbm>>)
      tpu.yield
    }) : () -> ()
    %run_scoped3A_334 = arith.constant 1 : i32
    "tpu.region"() ({
      %run_scoped3A_335 = tpu.sem_alloc : memref<!tpu.dma_semaphore, #tpu.memory_space<semaphore_mem>>
      %dma_start3A_336 = arith.constant 0 : i32
      %dma_start3A_337 = arith.constant 0 : i32
      %dma_start3A_338 = tpu.memref_slice %arg8[%run_scoped3A_334, %add3A, %dma_start3A_336, %dma_start3A_337] : memref<2x32x32x16xf32, #tpu.memory_space<hbm>> -> memref<1x1x32x16xf32, #tpu.memory_space<hbm>>
      %dma_start3A_339 = tpu.memref_squeeze %dma_start3A_338 : memref<1x1x32x16xf32, #tpu.memory_space<hbm>> -> memref<32x16xf32, #tpu.memory_space<hbm>>
      %dma_start3A_340 = arith.constant 0 : i32
      %dma_start3A_341 = arith.constant 0 : i32
      %dma_start3A_342 = tpu.memref_slice %arg8[%run_scoped3A_334, %add3A, %dma_start3A_340, %dma_start3A_341] : memref<2x32x32x16xf32, #tpu.memory_space<hbm>> -> memref<1x1x32x16xf32, #tpu.memory_space<hbm>>
      %dma_start3A_343 = tpu.memref_squeeze %dma_start3A_342 : memref<1x1x32x16xf32, #tpu.memory_space<hbm>> -> memref<32x16xf32, #tpu.memory_space<hbm>>
      tpu.enqueue_dma source(%arg20 : memref<32x16xf32, #tpu.memory_space<vmem>>) target(%dma_start3A_343 : memref<32x16xf32, #tpu.memory_space<hbm>>) target_semaphore(%run_scoped3A_335 : memref<!tpu.dma_semaphore, #tpu.memory_space<semaphore_mem>>)
      %dma_wait3A_344 = arith.constant 0 : i32
      %dma_wait3A_345 = arith.constant 0 : i32
      %dma_wait3A_346 = tpu.memref_slice %arg8[%run_scoped3A_334, %add3A, %dma_wait3A_344, %dma_wait3A_345] : memref<2x32x32x16xf32, #tpu.memory_space<hbm>> -> memref<1x1x32x16xf32, #tpu.memory_space<hbm>>
      %dma_wait3A_347 = tpu.memref_squeeze %dma_wait3A_346 : memref<1x1x32x16xf32, #tpu.memory_space<hbm>> -> memref<32x16xf32, #tpu.memory_space<hbm>>
      %dma_wait3A_348 = arith.constant 0 : i32
      %dma_wait3A_349 = arith.constant 0 : i32
      %dma_wait3A_350 = tpu.memref_slice %arg8[%run_scoped3A_334, %add3A, %dma_wait3A_348, %dma_wait3A_349] : memref<2x32x32x16xf32, #tpu.memory_space<hbm>> -> memref<1x1x32x16xf32, #tpu.memory_space<hbm>>
      %dma_wait3A_351 = tpu.memref_squeeze %dma_wait3A_350 : memref<1x1x32x16xf32, #tpu.memory_space<hbm>> -> memref<32x16xf32, #tpu.memory_space<hbm>>
      tpu.wait_dma2 semaphore(%run_scoped3A_335 : memref<!tpu.dma_semaphore, #tpu.memory_space<semaphore_mem>>) src(%arg20 : memref<32x16xf32, #tpu.memory_space<vmem>>) dst(%dma_wait3A_351 : memref<32x16xf32, #tpu.memory_space<hbm>>)
      tpu.yield
    }) : () -> ()
    return
  }
}

module attributes {stable_mosaic.version = 14 : i64} {
  func.func @body(%arg0: memref<256x128xf32, #tpu.memory_space<vmem>>, %arg1: memref<1x1xf32, #tpu.memory_space<smem>>) attributes {dimension_semantics = [], scalar_prefetch = 0 : i64, scratch_operands = 0 : i64, tpu.core_type = #tpu.core_type<tc>} {
    %get3A = arith.constant 0 : index
    %get3A_0 = arith.constant 0 : index
    %get3A_1 = vector.load %arg0[%get3A, %get3A_0] : memref<256x128xf32, #tpu.memory_space<vmem>>, vector<256x128xf32>
    %iota3A = tpu.iota {dimensions = array<i32: 0>} : vector<256x128xi32>
    %lt3A = arith.constant 128 : i32
    %lt3A_2 = vector.broadcast %lt3A : i32 to vector<256x128xi32>
    %lt3A_3 = arith.cmpi slt, %iota3A, %lt3A_2 : vector<256x128xi32>
    %neg3A = arith.constant 0.000000e+00 : f32
    %neg3A_4 = vector.broadcast %neg3A : f32 to vector<256x128xf32>
    %neg3A_5 = arith.subf %neg3A_4, %get3A_1 : vector<256x128xf32>
    %select_n3A = arith.select %lt3A_3, %get3A_1, %neg3A_5 : vector<256x128xi1>, vector<256x128xf32>
    %min3A = arith.constant 0.000000e+00 : f32
    %min3A_6 = vector.broadcast %min3A : f32 to vector<256x128xf32>
    %min3A_7 = arith.minimumf %select_n3A, %min3A_6 : vector<256x128xf32>
    %abs3A = math.absf %select_n3A : vector<256x128xf32>
    %neg3A_8 = arith.constant 0.000000e+00 : f32
    %neg3A_9 = vector.broadcast %neg3A_8 : f32 to vector<256x128xf32>
    %neg3A_10 = arith.subf %neg3A_9, %abs3A : vector<256x128xf32>
    %exp3A = math.exp %neg3A_10 : vector<256x128xf32>
    %log1p3A = math.log1p %exp3A : vector<256x128xf32>
    %sub3A = arith.subf %min3A_7, %log1p3A : vector<256x128xf32>
    %reduce_sum3A = vector.shape_cast %sub3A : vector<256x128xf32> to vector<1x256x128xf32>
    %reduce_sum3A_11 = arith.constant dense<0.000000e+00> : vector<1xf32>
    %reduce_sum3A_12 = vector.multi_reduction <add>, %reduce_sum3A, %reduce_sum3A_11 [1, 2] : vector<1x256x128xf32> to vector<1xf32>
    %reduce_sum3A_13 = vector.shape_cast %reduce_sum3A_12 : vector<1xf32> to vector<1x1x1xf32>
    %reduce_sum3A_14 = vector.extract %reduce_sum3A_13[0, 0, 0] : f32 from vector<1x1x1xf32>
    %neg3A_15 = arith.constant 0.000000e+00 : f32
    %neg3A_16 = arith.subf %neg3A_15, %reduce_sum3A_14 : f32
    %swap3A = arith.constant 0 : index
    %swap3A_17 = arith.constant 0 : index
    %swap3A_18 = memref.load %arg1[%swap3A, %swap3A_17] : memref<1x1xf32, #tpu.memory_space<smem>>
    memref.store %neg3A_16, %arg1[%swap3A, %swap3A_17] : memref<1x1xf32, #tpu.memory_space<smem>>
    return
  }
}

</mosaic_0001>

<sc_bundles>
// kernel: kernel.4.cloned.1.call-start
scs
__scs_entry_jumppad:
0x0: {  	(pc) =	sbr.rel $0x88, $3  }
0x1: {  	(tag) =	ssettag $0x0;
	lr =	simm.s32 $0x1  }
0x2: {  	[smem:$0x3F9B] =	sst lr;
	_ =	strace $0xD0000000  }
0x3: {  	_ = 	snop  }
0x4: {  	_ = 	snop  }
0x5: {  	_ = 	snop  }
0x6: {  	_ = 	snop  }
0x7: {  	_ = 	snop  }
__scs_overlays_trampoline_lowered:
0x8: {  	[smem:$0x3FAA] =	sst s0  }
0x9: {  	[smem:$0x3FAB] =	sst s1  }
0xa: {  	[smem:$0x3FAC] =	sst s2  }
0xb: {  	[smem:$0x3FAD] =	sst s3  }
0xc: {  	[smem:$0x3FAE] =	sst s4  }
0xd: {  	[smem:$0x3FAF] =	sst s5  }
0xe: {  	[smem:$0x3FB0] =	sst s6  }
0xf: {  	[smem:$0x3FB1] =	sst s7  }
0x10: {  	[smem:$0x3FB2] =	sst s8  }
0x11: {  	[smem:$0x3FB3] =	sst s9;
	s0 =	simm.s32 @!p0 $0x0  }
0x12: {  	s1 =	sld [smem:$0x3F99];
	s0 =	simm.s32 @p0 $0x1  }
0x13: {  	[smem:$0x3FB4] =	sst s0;
	s0 =	simm.s32 @!p1 $0x0  }
0x14: {  	s2 =	sld [smem:$0x3F98];
	s0 =	simm.s32 @p1 $0x1  }
0x15: {  	[smem:$0x3FB5] =	sst s0;
	s0 =	simm.s32 @!p2 $0x0  }
0x16: {  	s3 =	sld [smem:$0x3FDB];
	s0 =	simm.s32 @p2 $0x1  }
0x17: {  	s4 =	simm.s32 $0x1BF5;
	[smem:$0x3FB7] =	sst s0  }
0x18: {  	s0 =	sld [smem:$0x3F9A];
	_ =	swait.ge [sflag:s4], $0x0  }
0x19: {  	s7 =	sld [smem:$0x3F9B]  }
0x1a: {  	s8 =	sadd.s32 $0xFFFFE003, lr  }
0x1b: {  	s9 =	sadd.s32 $0xFFFFFEF7, lr;
	s5 =	simm.s32 $0xFFFFFFFF;
	p2 =	slt.u32 s8, $0xFFFFF086  }
0x1c: {  	p1 =	slt.u32 s9, $0xF7A;
	s5 =	simm.s32 @!p2 $0x0  }
0x1d: {  	s5 =	simm.s32 @p1 $0x1;
	p0 =	seq.s32 s7, s2  }
0x1e: {  	s7 =	smul.u32 @!p0 $0xF7A, s2;
	p2 =	seq.s32 @!p0 s5, $0x0  }
0x1f: {  	s9 =	smul.u32 $0xF7A, s1;
	s8 =	simm.s32 @!p0 $0x1BF5;
	p2 =	por !p2, p0  }
0x20: {  	[sflag:s8] =	ssyncset.s32 @!p0 $0xFFFFF086;
	s6 =	sadd.s32 @!p0 s3, s7;
	s7 =	simm.s32 @!p0 $0x108  }
0x21: {  	s3 =	sadd.s32 s3, s9;
	s6 =	sadd.s32 @!p0 $0x88, s6;
	s7 =	simm.s32 @p2 $0x1082  }
0x22: {  	[simem:s7], [sflag:s8] =	dma.local @!p0 [hbm:s6], $0xF7A  }
0x23: {  	s9 =	sor.u32 $0xD0000000, s2;
	s6 =	simm.s32 $0x108;
	_ =	swait.ge @!p0 [sflag:s8], $0x0  }
0x24: {  	s3 =	sadd.s32 $0x88, s3;
	s6 =	simm.s32 @!p1 $0x1082;
	[sflag:s4] =	ssyncset.s32 $0xFFFFF086  }
0x25: {  	[simem:s6], [sflag:s4] =	dma.local [hbm:s3], $0xF7A  }
0x26: {  	[smem:$0x3F9B] =	sst s1;
	(tag) =	ssettag s2;
	_ =	strace s9  }
0x27: {  	s1 =	sld [smem:$0x3FAB]  }
0x28: {  	s2 =	sld [smem:$0x3FAC]  }
0x29: {  	s4 =	sld [smem:$0x3FAE]  }
0x2a: {  	p0 =	seq.s32 s5, $0x0;
	s5 =	sld [smem:$0x3FAF]  }
0x2b: {  	s6 =	sld [smem:$0x3FB0]  }
0x2c: {  	s7 =	sld [smem:$0x3FB1]  }
0x2d: {  	s3 =	simm.s32 $0x108;
	s8 =	sld [smem:$0x3FB2]  }
0x2e: {  	s3 =	simm.s32 @!p0 $0x1082;
	s9 =	sld [smem:$0x3FB3]  }
0x2f: {  	lr =	sadd.s32 s0, s3;
	s0 =	sld [smem:$0x3FAA]  }
0x30: {  	s3 =	sld [smem:$0x3FAD]  }
0x31: {  	[smem:$0x3FB6] =	sst s10  }
0x32: {  	s10 =	sld [smem:$0x3FB4];
	_ =	sdelay $0x3  }
0x33: {  	p0 =	seq.s32 s10, $0x1;
	s10 =	sld [smem:$0x3FB6];
	_ =	sdelay $0x3  }
0x34: {  	[smem:$0x3FB6] =	sst s10  }
0x35: {  	s10 =	sld [smem:$0x3FB5];
	_ =	sdelay $0x3  }
0x36: {  	p1 =	seq.s32 s10, $0x1;
	s10 =	sld [smem:$0x3FB6];
	_ =	sdelay $0x3  }
0x37: {  	[smem:$0x3FB6] =	sst s10  }
0x38: {  	s10 =	sld [smem:$0x3FB7]  }
0x39: {  	_ = 	snop;
	(pc) =	sbr.ind lr, $3  }
0x3a: {  	_ = 	snop  }
0x3b: {  	_ = 	snop  }
0x3c: {  	p2 =	seq.s32 s10, $0x1;
	s10 =	sld [smem:$0x3FB6]  }
0x3d: {  	_ =	shalt  }
0x3e: {  	_ =	shalt  }
0x3f: {  	_ =	shalt  }
0x40: {  	_ =	shalt  }
0x41: {  	_ =	shalt  }
0x42: {  	_ =	shalt  }
0x43: {  	_ =	shalt  }
0x44: {  	_ =	shalt  }
0x45: {  	_ =	shalt  }
0x46: {  	_ =	shalt  }
0x47: {  	_ =	shalt  }
0x48: {  	_ =	shalt  }
0x49: {  	_ =	shalt  }
0x4a: {  	_ =	shalt  }
0x4b: {  	_ =	shalt  }
0x4c: {  	_ =	shalt  }
0x4d: {  	_ =	shalt  }
0x4e: {  	_ =	shalt  }
0x4f: {  	_ =	shalt  }
0x50: {  	_ =	shalt  }
0x51: {  	_ =	shalt  }
0x52: {  	_ =	shalt  }
0x53: {  	_ =	shalt  }
0x54: {  	_ =	shalt  }
0x55: {  	_ =	shalt  }
0x56: {  	_ =	shalt  }
0x57: {  	_ =	shalt  }
0x58: {  	_ =	shalt  }
0x59: {  	_ =	shalt  }
0x5a: {  	_ =	shalt  }
0x5b: {  	_ =	shalt  }
0x5c: {  	_ =	shalt  }
0x5d: {  	_ =	shalt  }
0x5e: {  	_ =	shalt  }
0x5f: {  	_ =	shalt  }
0x60: {  	_ =	shalt  }
0x61: {  	_ =	shalt  }
0x62: {  	_ =	shalt  }
0x63: {  	_ =	shalt  }
0x64: {  	_ =	shalt  }
0x65: {  	_ =	shalt  }
0x66: {  	_ =	shalt  }
0x67: {  	_ =	shalt  }
0x68: {  	_ =	shalt  }
0x69: {  	_ =	shalt  }
0x6a: {  	_ =	shalt  }
0x6b: {  	_ =	shalt  }
0x6c: {  	_ =	shalt  }
0x6d: {  	_ =	shalt  }
0x6e: {  	_ =	shalt  }
0x6f: {  	_ =	shalt  }
0x70: {  	_ =	shalt  }
0x71: {  	_ =	shalt  }
0x72: {  	_ =	shalt  }
0x73: {  	_ =	shalt  }
0x74: {  	_ =	shalt  }
0x75: {  	_ =	shalt  }
0x76: {  	_ =	shalt  }
0x77: {  	_ =	shalt  }
0x78: {  	_ =	shalt  }
0x79: {  	_ =	shalt  }
0x7a: {  	_ =	shalt  }
0x7b: {  	_ =	shalt  }
0x7c: {  	_ =	shalt  }
0x7d: {  	_ =	shalt  }
0x7e: {  	_ =	shalt  }
0x7f: {  	_ =	shalt  }
0x80: {  	_ =	shalt  }
0x81: {  	_ =	shalt  }
0x82: {  	_ =	shalt  }
0x83: {  	_ =	shalt  }
0x84: {  	_ =	shalt  }
0x85: {  	_ =	shalt  }
0x86: {  	_ =	shalt  }
0x87: {  	_ =	shalt  }
.Lfunc_end0:
.L_simem_size_0:
called_computation_lowered:
.L_overlay_start_0:
0x88: {  	s2 =	sld [smem:$0x3FD9]  }
0x89: {  	s3 =	sld [smem:$0x3FFE];
	_ =	sdelay $0x1  }
0x8a: {  	s1 =	srdreg.scid  }
0x8b: {  	s0 =	sand.u32 $0x1, s1  }
0x8c: {  	s17 =	sshll.u32 s0, $0xA;
	s2 =	sadd.s32 s3, s2  }
0x8d: {  	s2 =	sadd.s32 s2, s17  }
0x8e: {  	[smem:$0x3FC2] =	sst s2  }
0x8f: {  	_ = 	snop  }
0x90: {  	s2 =	sld [smem:$0x3FC9]  }
0x91: {  	s18 =	sld [smem:$0x3FC8]  }
0x92: {  	s4 =	sld [smem:$0x3FC7]  }
0x93: {  	s5 =	sld [smem:$0x3FC6];
	(tm) =	ssettm $0x1  }
0x94: {  	s6 =	sld [smem:$0x3FFB];
	_ =	sdelay $0x3  }
0x95: {  	_ =	strace s6  }
0x96: {  	s6 =	sld [smem:$0x3FFC];
	_ =	sdelay $0x3  }
0x97: {  	_ =	strace s6  }
0x98: {  	s6 =	sld [smem:$0x3FFD];
	_ =	sdelay $0x3  }
0x99: {  	_ =	strace s6  }
0x9a: {  	_ =	strace $0x8FFFFFFF  }
0x9b: {  	s19 =	sld [smem:$0x3FDB];
	_ =	sdelay $0x1  }
0x9c: {  	s7 =	simm.s32 $_scs_section_size  }
0x9d: {  	s8 =	simm.s32 $_size__tile_overlayer_lowered;
	s9 =	simm.s32 $_tile_overlayer_lowered  }
0x9e: {  	s22 =	simm.s32 $0x1BFF;
	s21 =	sshll.u32 s9, $0x1;
	s6 =	sadd.s32 s7, s19  }
0x9f: {  	s10 =	simm.s32 $0x0;
	s20 =	sshll.u32 s8, $0x1;
	s8 =	sadd.s32 s21, s6  }
0xa0: {  	[timem:s10], [sflag:s22] =	dma.local [hbm:s8], s20  }
0xa1: {  	_ =	swait.ge [sflag:s22], s20  }
0xa2: {  	s7 =	ssub.s32 $0x0, s20;
	[sflag:s22] =	ssyncset.done $0x0  }
0xa3: {  	[sflag:s22] =	ssyncadd.s32 s7;
	_ =	sdelay $0x1  }
0xa4: {  	s23 =	simm.s32 $0x1B8B  }
0xa5: {  	_ =	swait.ge [sflag:s23], $0x1  }
0xa6: {  	[sflag:s23] =	ssyncset.done $0x0  }
0xa7: {  	s25 =	simm.s32 $0x1B8E;
	s24 =	sld [smem:$0x3FFE];
	[sflag:s23] =	ssyncadd.s32 $0xFFFFFFFF  }
0xa8: {  	s26 =	simm.s32 $execute0_lowered;
	[smem:$0x3FD2] =	sst s25  }
0xa9: {  	s8 =	sshll.u32 s26, $0x1;
	_ =	strace $0x80000046;
	[dreg:$0x1] =	wrdreg $0xFFFFFFFF  }
0xaa: {  	s28 =	simm.s32 $_size_execute0_lowered;
	s6 =	sadd.s32 s6, s8;
	[dreg:$0x0] =	wrdreg $0x0  }
0xab: {  	s8 =	sshll.u32 s28, $0x1;
	[dreg:$0x2] =	wrdreg s6  }
0xac: {  	[dreg:$0x3] =	wrdreg s8  }
0xad: {  	[dreg:$0x4] =	wrdreg $0xC0  }
0xae: {  	_ =	task [dreg:s10], $0x5FFFF  }
0xaf: {  	[dreg:$0x1] =	wrdreg $0xFFFFFFFF  }
0xb0: {  	[dreg:$0x0] =	wrdreg $0x60  }
0xb1: {  	[dreg:$0x2] =	wrdreg s2  }
0xb2: {  	[dreg:$0x3] =	wrdreg s18  }
0xb3: {  	[dreg:$0x4] =	wrdreg s4  }
0xb4: {  	[dreg:$0x5] =	wrdreg s5  }
0xb5: {  	[dreg:$0x6] =	wrdreg s24  }
0xb6: {  	[dreg:$0x7] =	wrdreg $0x9  }
0xb7: {  	_ =	task.clear_ibuf [dreg:s10], $0x8FFFF;
	_ =	strace $0x90000046  }
0xb8: {  	s29 =	simm.s32 $0x9;
	_ =	strace $0x80000048  }
0xb9: {  	_ =	swait.ge [sflag:s29], $0x1  }
0xba: {  	[sflag:s29] =	ssyncadd.s32 $0xFFFFFFFF  }
0xbb: {  	_ =	strace $0x90000048  }
0xbc: {  	_ =	sfence  }
0xbd: {  	s30 =	sld [smem:$0x0];
	_ =	sdelay $0x2  }
0xbe: {  	s31 =	sshll.u32 s1, $0xD;
	s1 =	sshrl.u32 s1, $0x2  }
0xbf: {  	s3 =	sand.u32 $0x4000, s31;
	s1 =	sadd.s32 s1, s30  }
0xc0: {  	s0 =	sor.u32 s3, s0;
	s1 =	sshll.u32 s1, $0x11  }
0xc1: {  	s0 =	sor.u32 s1, s0  }
0xc2: {  	s0 =	sadd.s32 $0x8F2B, s0  }
0xc3: {  	[sflag:s0] =	ssyncadd.remote.s32 $0x1  }
0xc4: {  	_ =	sfence.sel $0xFFFF  }
0xc5: {  	[dreg:$0x0] =	wrdreg $0xFFFFFFFF;
	(pc) =	sbr.abs _section_cstart, $3  }
0xc6: {  	[dreg:$0x1] =	wrdreg $0xFFFFFFFF  }
0xc7: {  	_ =	task.clear_ibuf [dreg:s10], $0x2FFFF;
	_ =	strace $0x9FFFFFFF  }
0xc8: {  	(tm) =	ssettm $0x7FFFFFFF  }
0xc9: {  	_ =	shalt  }
tec
execute0_lowered:
.L_overlay_start_1:
0x0: {  	(tag) =	ssettag $0x1  }
0x1: {  	s0 =	rddreg [dreg:$0x0]  }
0x2: {  	s1 =	rddreg [dreg:$0x1]  }
0x3: {  	s7 =	rddreg [dreg:$0x2]  }
0x4: {  	s8 =	rddreg [dreg:$0x3]  }
0x5: {  	s5 =	rddreg [dreg:$0x4];
	v1 =	vlaneseq.u32;
	s13 =	simm.s32 $0x200;
	v2 =	vimm.s32 $0x7654321;
	s14 =	simm.s32 $0x400;
	v4 =	vimm.s32 $0x10765432  }
0x6: {  	s2 =	simm.s32 $0x0;
	s3 =	srdreg.scid;
	s4 =	stileid.u32;
	v6 =	vimm.s32 $0x21076543;
	v8 =	vimm.s32 $0x32107654;
	v10 =	vimm.s32 $0x43210765  }
0x7: {  	s15 =	simm.s32 $0x600;
	s16 =	simm.s32 $0x80;
	v12 =	vimm.s32 $0x65432107;
	s23 =	simm.s32 $0x7800;
	v0 =	vmul.u32 $0x11, v1;
	v1 =	vand.u32 $0x7, v1  }
0x8: {  	s24 =	simm.s32 $0x580;
	s25 =	simm.s32 $0xB800;
	s28 =	simm.s32 $0xF800;
	v3 =	vunpack.c.l.s4.s8 v2;
	v5 =	vunpack.c.l.s4.s8 v4;
	v7 =	vunpack.c.l.s4.s8 v6  }
0x9: {  	s29 =	simm.s32 $0x1;
	s30 =	simm.s32 $0x10800;
	s31 =	simm.s32 $0x12A00;
	v9 =	vunpack.c.l.s4.s8 v8;
	v11 =	vunpack.c.l.s4.s8 v10;
	v10 =	vimm.s32 $0x54321076  }
0xa: {  	s17 =	simm.s32 $0x0;
	[smem:$0x7FF] =	sst s2;
	s3 =	sand.u32 $0x1, s3;
	v15 =	vunpack.c.l.s4.s8 v12;
	v13 =	vunpack.c.l.s4.s8 v10;
	v2 =	vadd.s32 $0x1, v0  }
0xb: {  	s4 =	sshll.u32 s4, $0x7;
	_ =	strace $0x80000047;
	s6 =	sshll.u32 s3, $0x6;
	v3 =	vunpack.c.0.s8.s32 v3;
	v4 =	vadd.s32 $0x2, v0;
	v5 =	vunpack.c.0.s8.s32 v5  }
0xc: {  	s9 =	ssub.s32 $0x2, s3;
	s3 =	sadd.s32 $0xF42A00, s5;
	s10 =	sor.u32 s6, s4;
	v6 =	vadd.s32 $0x3, v0;
	v7 =	vunpack.c.0.s8.s32 v7;
	v8 =	vadd.s32 $0x4, v0  }
0xd: {  	s26 =	sshrl.u32 s9, $0x1;
	s4 =	sadd.s32 $0x1313400, s5;
	v9 =	vunpack.c.0.s8.s32 v9;
	v10 =	vadd.s32 $0x5, v0;
	v11 =	vunpack.c.0.s8.s32 v11;
	s11 =	sadd.s32 s10, s5  }
0xe: {  	v12 =	vadd.s32 $0x6, v0;
	v14 =	vadd.s32 $0x7, v0;
	v15 =	vunpack.c.0.s8.s32 v15;
	s12 =	ssub.s32 s9, s26;
	s5 =	sadd.s32 s0, s10;
	s6 =	sadd.s32 s1, s10  }
0xf: {  	v16 =	vadd.s32 $0x8, v0;
	v17 =	vadd.s32 $0x9, v0;
	v18 =	vadd.s32 $0xA, v0;
	s7 =	sadd.s32 s7, s10;
	s8 =	sadd.s32 s8, s10;
	s26 =	simm.s32 $0x780  }
0x10: {  	v19 =	vadd.s32 $0xB, v0;
	v20 =	vadd.s32 $0xC, v0;
	v21 =	vadd.s32 $0xD, v0;
	s0 =	simm.s32 $0x14C00;
	s1 =	simm.s32 $0x14E00;
	s9 =	sadd.s32 $0x600, s11  }
0x11: {  	v22 =	vadd.s32 $0xE, v0;
	v23 =	vadd.s32 $0xF, v0;
	v13 =	vunpack.c.0.s8.s32 v13;
	s10 =	sadd.s32 $0xE00, s11;
	s11 =	smax.u32 s12, $0x1;
	s12 =	simm.s32 $0x2  }
.LBB2_1:
0x12: {  	[tilespmem:s2], [sflag:$0x2] =	stream.linear.gather [hbm4b:s5+s2], $0x200, $0x38;
	[tilespmem:$0x15000] =	vst v63  }
0x13: {  	_ =	swait.ge [sflag:s12], $0x200  }
0x14: {  	[sflag:s12] =	ssyncset.done $0x0  }
0x15: {  	[sflag:s12] =	ssyncadd.s32 $0xFFFFFE00  }
0x16: {  	[tilespmem:s13], [sflag:$0x2] =	stream.linear.gather [hbm4b:s6+s2], $0x200, $0x38;
	[tilespmem:$0x15000] =	vst v63  }
0x17: {  	_ =	swait.ge [sflag:s12], $0x200  }
0x18: {  	[sflag:s12] =	ssyncset.done $0x0  }
0x19: {  	[sflag:s12] =	ssyncadd.s32 $0xFFFFFE00  }
0x1a: {  	[tilespmem:s14], [sflag:$0x2] =	stream.linear.gather [hbm4b:s7+s2], $0x200, $0x38;
	[tilespmem:$0x15000] =	vst v63  }
0x1b: {  	_ =	swait.ge [sflag:s12], $0x200  }
0x1c: {  	[sflag:s12] =	ssyncset.done $0x0  }
0x1d: {  	[sflag:s12] =	ssyncadd.s32 $0xFFFFFE00  }
0x1e: {  	[tilespmem:s15], [sflag:$0x2] =	stream.linear.gather [hbm4b:s8+s2], $0x200, $0x38;
	[tilespmem:$0x15000] =	vst v63  }
0x1f: {  	_ =	swait.ge [sflag:s12], $0x200  }
0x20: {  	[sflag:s12] =	ssyncset.done $0x0  }
0x21: {  	s18 =	simm.s32 $0x800;
	[sflag:s12] =	ssyncadd.s32 $0xFFFFFE00  }
0x22: {  	[tilespmem:s18], [sflag:$0x1] =	stream.indirect.gather [hbm4b:s3+s16], $0x20, s2, s16, $0xb8;
	[tilespmem:$0x15000] =	vst v63  }
0x23: {  	s22 =	simm.s32 $0x4800  }
0x24: {  	[tilespmem:s22], [sflag:$0x1] =	stream.indirect.gather [hbm4b:s4+s16], $0x20, s13, s16, $0xb8;
	[tilespmem:$0x15000] =	vst v63  }
0x25: {  	s19 =	simm.s32 $0x8800  }
0x26: {  	[tilespmem:s19], [sflag:$0x1] =	stream.indirect.gather [hbm4b:s3+s16], $0x20, s14, s16, $0xb8;
	[tilespmem:$0x15000] =	vst v63  }
0x27: {  	s20 =	simm.s32 $0xC800  }
0x28: {  	[tilespmem:s20], [sflag:$0x1] =	stream.indirect.gather [hbm4b:s4+s16], $0x20, s15, s16, $0xb8;
	[tilespmem:$0x15000] =	vst v63  }
0x29: {  	s21 =	simm.s32 $0x1800  }
0x2a: {  	[tilespmem:s21], [sflag:$0x1] =	stream.indirect.gather [hbm4b:s3+s16], $0x20, s16, s16, $0xb8;
	[tilespmem:$0x15000] =	vst v63  }
0x2b: {  	s22 =	simm.s32 $0x280;
	s19 =	simm.s32 $0x5800  }
0x2c: {  	[tilespmem:s19], [sflag:$0x1] =	stream.indirect.gather [hbm4b:s4+s16], $0x20, s22, s16, $0xb8;
	[tilespmem:$0x15000] =	vst v63  }
0x2d: {  	s20 =	simm.s32 $0x9800;
	s19 =	simm.s32 $0x480  }
0x2e: {  	[tilespmem:s20], [sflag:$0x1] =	stream.indirect.gather [hbm4b:s3+s16], $0x20, s19, s16, $0xb8;
	[tilespmem:$0x15000] =	vst v63  }
0x2f: {  	s21 =	simm.s32 $0x680;
	s22 =	simm.s32 $0xD800  }
0x30: {  	[tilespmem:s22], [sflag:$0x1] =	stream.indirect.gather [hbm4b:s4+s16], $0x20, s21, s16, $0xb8;
	[tilespmem:$0x15000] =	vst v63  }
0x31: {  	s19 =	simm.s32 $0x100;
	s20 =	simm.s32 $0x2800  }
0x32: {  	[tilespmem:s20], [sflag:$0x1] =	stream.indirect.gather [hbm4b:s3+s16], $0x20, s19, s16, $0xb8;
	[tilespmem:$0x15000] =	vst v63  }
0x33: {  	s21 =	simm.s32 $0x300;
	s22 =	simm.s32 $0x6800  }
0x34: {  	[tilespmem:s22], [sflag:$0x1] =	stream.indirect.gather [hbm4b:s4+s16], $0x20, s21, s16, $0xb8;
	[tilespmem:$0x15000] =	vst v63  }
0x35: {  	s19 =	simm.s32 $0x500;
	s20 =	simm.s32 $0xA800  }
0x36: {  	[tilespmem:s20], [sflag:$0x1] =	stream.indirect.gather [hbm4b:s3+s16], $0x20, s19, s16, $0xb8;
	[tilespmem:$0x15000] =	vst v63  }
0x37: {  	s21 =	simm.s32 $0x700;
	s22 =	simm.s32 $0xE800  }
0x38: {  	[tilespmem:s22], [sflag:$0x1] =	stream.indirect.gather [hbm4b:s4+s16], $0x20, s21, s16, $0xb8;
	[tilespmem:$0x15000] =	vst v63  }
0x39: {  	s19 =	simm.s32 $0x180;
	s20 =	simm.s32 $0x3800  }
0x3a: {  	[tilespmem:s20], [sflag:$0x1] =	stream.indirect.gather [hbm4b:s3+s16], $0x20, s19, s16, $0xb8;
	[tilespmem:$0x15000] =	vst v63  }
0x3b: {  	s21 =	simm.s32 $0x380  }
0x3c: {  	[tilespmem:s23], [sflag:$0x1] =	stream.indirect.gather [hbm4b:s4+s16], $0x20, s21, s16, $0xb8;
	[tilespmem:$0x15000] =	vst v63  }
0x3d: {  	_ = 	snop  }
0x3e: {  	[tilespmem:s25], [sflag:$0x1] =	stream.indirect.gather [hbm4b:s3+s16], $0x20, s24, s16, $0xb8;
	[tilespmem:$0x15000] =	vst v63  }
0x3f: {  	_ = 	snop  }
0x40: {  	[tilespmem:s28], [sflag:$0x1] =	stream.indirect.gather [hbm4b:s4+s16], $0x20, s26, s16, $0xb8;
	[tilespmem:$0x15000] =	vst v63  }
0x41: {  	_ =	swait.ge [sflag:s29], $0x1000  }
0x42: {  	[sflag:s29] =	ssyncset.done $0x0  }
0x43: {  	[sflag:s29] =	ssyncadd.s32 $0xFFFFF000  }
0x44: {  	_ =	swait.ge [sflag:s29], $0x1000  }
0x45: {  	[sflag:s29] =	ssyncset.done $0x0  }
0x46: {  	[sflag:s29] =	ssyncadd.s32 $0xFFFFF000  }
0x47: {  	_ =	swait.ge [sflag:s29], $0x1000  }
0x48: {  	[sflag:s29] =	ssyncset.done $0x0  }
0x49: {  	[sflag:s29] =	ssyncadd.s32 $0xFFFFF000  }
0x4a: {  	_ =	swait.ge [sflag:s29], $0x1000  }
0x4b: {  	[sflag:s29] =	ssyncset.done $0x0  }
0x4c: {  	[sflag:s29] =	ssyncadd.s32 $0xFFFFF000  }
0x4d: {  	_ =	swait.ge [sflag:s29], $0x1000  }
0x4e: {  	[sflag:s29] =	ssyncset.done $0x0  }
0x4f: {  	[sflag:s29] =	ssyncadd.s32 $0xFFFFF000  }
0x50: {  	_ =	swait.ge [sflag:s29], $0x1000  }
0x51: {  	[sflag:s29] =	ssyncset.done $0x0  }
0x52: {  	[sflag:s29] =	ssyncadd.s32 $0xFFFFF000  }
0x53: {  	_ =	swait.ge [sflag:s29], $0x1000  }
0x54: {  	[sflag:s29] =	ssyncset.done $0x0  }
0x55: {  	[sflag:s29] =	ssyncadd.s32 $0xFFFFF000  }
0x56: {  	_ =	swait.ge [sflag:s29], $0x1000  }
0x57: {  	[sflag:s29] =	ssyncset.done $0x0  }
0x58: {  	[sflag:s29] =	ssyncadd.s32 $0xFFFFF000  }
0x59: {  	_ =	swait.ge [sflag:s29], $0x1000  }
0x5a: {  	[sflag:s29] =	ssyncset.done $0x0  }
0x5b: {  	[sflag:s29] =	ssyncadd.s32 $0xFFFFF000  }
0x5c: {  	_ =	swait.ge [sflag:s29], $0x1000  }
0x5d: {  	[sflag:s29] =	ssyncset.done $0x0  }
0x5e: {  	[sflag:s29] =	ssyncadd.s32 $0xFFFFF000  }
0x5f: {  	_ =	swait.ge [sflag:s29], $0x1000  }
0x60: {  	[sflag:s29] =	ssyncset.done $0x0  }
0x61: {  	[sflag:s29] =	ssyncadd.s32 $0xFFFFF000  }
0x62: {  	_ =	swait.ge [sflag:s29], $0x1000  }
0x63: {  	[sflag:s29] =	ssyncset.done $0x0  }
0x64: {  	[sflag:s29] =	ssyncadd.s32 $0xFFFFF000  }
0x65: {  	_ =	swait.ge [sflag:s29], $0x1000  }
0x66: {  	[sflag:s29] =	ssyncset.done $0x0  }
0x67: {  	[sflag:s29] =	ssyncadd.s32 $0xFFFFF000  }
0x68: {  	_ =	swait.ge [sflag:s29], $0x1000  }
0x69: {  	[sflag:s29] =	ssyncset.done $0x0  }
0x6a: {  	[sflag:s29] =	ssyncadd.s32 $0xFFFFF000  }
0x6b: {  	_ =	swait.ge [sflag:s29], $0x1000  }
0x6c: {  	[sflag:s29] =	ssyncset.done $0x0  }
0x6d: {  	[sflag:s29] =	ssyncadd.s32 $0xFFFFF000  }
0x6e: {  	_ =	swait.ge [sflag:s29], $0x1000  }
0x6f: {  	[sflag:s29] =	ssyncset.done $0x0  }
0x70: {  	s22 =	simm.s32 $0x0;
	[sflag:s29] =	ssyncadd.s32 $0xFFFFF000  }
0x71: {  	v24 =	vld [tilespmem:s22+$0x4810]  }
0x72: {  	v25 =	vld [tilespmem:s22+$0x800]  }
0x73: {  	v26 =	vld [tilespmem:s22+$0x810]  }
0x74: {  	v27 =	vld [tilespmem:s22+$0x4800];
	_ =	sdelay $0x4  }
0x75: {  	v24 =	vmul.f32 v24, v26;
	v25 =	vmul.f32 v27, v25;
	_ =	sdelay $0x1  }
0x76: {  	v24 =	vadd.f32 v24, v25;
	_ =	sdelay $0x1  }
0x77: {  	[tilespmem:s30+$0x0] =	vst v24  }
0x78: {  	v25 =	vld [tilespmem:s22+$0x8800]  }
0x79: {  	v24 =	vld [tilespmem:s22+$0xC810]  }
0x7a: {  	s18 =	simm.s32 $0x12A00;
	v27 =	vld [tilespmem:s22+$0xC800]  }
0x7b: {  	s19 =	simm.s32 $0x80;
	s20 =	simm.s32 $0x10800;
	s21 =	simm.s32 $0x12A00;
	v26 =	vld [tilespmem:s22+$0x8810]  }
.LBB2_2:
0x7c: {  	_ =	sdelay $0x1  }
0x7d: {  	p0 =	sne.s32 s19, $0xFF80;
	s20 =	sadd.s32 $0x11, s20;
	s21 =	sadd.s32 $0x11, s21  }
0x7e: {  	s22 =	smov.u32 s19;
	s19 =	sadd.s32 $0x80, s19;
	v25 =	vmul.f32 v27, v25  }
0x7f: {  	v24 =	vmul.f32 v24, v26;
	_ =	sdelay $0x1  }
0x80: {  	v24 =	vadd.f32 v24, v25;
	_ =	sdelay $0x1  }
0x81: {  	s22 =	sshra.s32 s22, $0x2;
	[tilespmem:s18+$0x0] =	vst v24;
	s18 =	smov.u32 s21  }
0x82: {  	v24 =	vld [tilespmem:s22+$0x4810]  }
0x83: {  	v25 =	vld [tilespmem:s22+$0x800]  }
0x84: {  	v26 =	vld [tilespmem:s22+$0x810]  }
0x85: {  	v27 =	vld [tilespmem:s22+$0x4800];
	_ =	sdelay $0x3  }
0x86: {  	v24 =	vmul.f32 v24, v26  }
0x87: {  	v25 =	vmul.f32 v27, v25;
	_ =	sdelay $0x1  }
0x88: {  	v24 =	vadd.f32 v24, v25;
	_ =	sdelay $0x1  }
.Ltmp0:
0x89: {  	[tilespmem:s20+$0x0] =	vst v24;
	(pc) =	sbr.rel @p0 .LBB2_2-.Ltmp0, $4  }
0x8a: {  	v25 =	vld [tilespmem:s22+$0x8800]  }
0x8b: {  	v24 =	vld [tilespmem:s22+$0xC810]  }
0x8c: {  	v27 =	vld [tilespmem:s22+$0xC800]  }
0x8d: {  	v26 =	vld [tilespmem:s22+$0x8810]  }
0x8e: {  	s19 =	simm.s32 $0x0  }
0x8f: {  	v28 =	vmov s19  }
0x90: {  	v28 =	vmul.u32 $0x11, v28;
	_ =	sdelay $0x1  }
0x91: {  	v28 =	vbroadcast v28, $0x0;
	_ =	sdelay $0x1  }
0x92: {  	v29 =	vadd.s32 v0, v28  }
0x93: {  	v25 =	vmul.f32 v27, v25;
	v27 =	vand.u32 $0xFFFFFFF8, v29  }
0x94: {  	v24 =	vmul.f32 v24, v26;
	v26 =	vor.u32 v1, v27;
	v27 =	vadd.s32 v2, v28  }
0x95: {  	v27 =	vand.u32 $0xFFFFFFF8, v27  }
0x96: {  	v24 =	vadd.f32 v24, v25;
	v25 =	vor.u32 v3, v27;
	v27 =	vadd.s32 v4, v28  }
0x97: {  	v27 =	vand.u32 $0xFFFFFFF8, v27  }
0x98: {  	[tilespmem:s18+$0x0] =	vst v24;
	v24 =	vor.u32 v5, v27;
	v27 =	vadd.s32 v6, v28  }
0x99: {  	v29 =	vld.idx.msk [tilespmem:v26+s30+$0x0], $0xffff;
	v27 =	vand.u32 $0xFFFFFFF8, v27  }
0x9a: {  	v30 =	vadd.s32 v8, v28;
	v26 =	vld.idx.msk [tilespmem:v26+s31+$0x0], $0xffff;
	v27 =	vor.u32 v7, v27  }
0x9b: {  	v30 =	vand.u32 $0xFFFFFFF8, v30;
	v31 =	vld.idx.msk [tilespmem:v25+s30+$0x0], $0xffff  }
0x9c: {  	v32 =	vadd.s32 v10, v28;
	v30 =	vor.u32 v9, v30;
	v25 =	vld.idx.msk [tilespmem:v25+s31+$0x0], $0xffff  }
0x9d: {  	v32 =	vand.u32 $0xFFFFFFF8, v32;
	v33 =	vld.idx.msk [tilespmem:v24+s30+$0x0], $0xffff  }
0x9e: {  	v34 =	vadd.s32 v12, v28;
	v32 =	vor.u32 v11, v32;
	v24 =	vld.idx.msk [tilespmem:v24+s31+$0x0], $0xffff;
	v29 =	vadd.f32 $0.0e+00, v29  }
0x9f: {  	v34 =	vand.u32 $0xFFFFFFF8, v34;
	v26 =	vadd.f32 $0.0e+00, v26;
	v35 =	vld.idx.msk [tilespmem:v27+s30+$0x0], $0xffff  }
0xa0: {  	v36 =	vadd.s32 v14, v28;
	v34 =	vor.u32 v13, v34;
	v27 =	vld.idx.msk [tilespmem:v27+s31+$0x0], $0xffff;
	v29 =	vadd.f32 v31, v29  }
0xa1: {  	v36 =	vand.u32 $0xFFFFFFF8, v36;
	v31 =	vld.idx.msk [tilespmem:v30+s30+$0x0], $0xffff;
	v25 =	vadd.f32 v25, v26  }
0xa2: {  	v48 =	vadd.s32 v16, v28;
	v26 =	vld.idx.msk [tilespmem:v30+s31+$0x0], $0xffff;
	v30 =	vor.u32 v15, v36;
	v29 =	vadd.f32 v33, v29  }
0xa3: {  	v49 =	vld.idx.msk [tilespmem:v32+s30+$0x0], $0xffff;
	v36 =	vand.u32 $0xFFFFFFF8, v48;
	v24 =	vadd.f32 v24, v25  }
0xa4: {  	v51 =	vadd.s32 v17, v28;
	v50 =	vor.u32 v1, v36;
	v25 =	vld.idx.msk [tilespmem:v32+s31+$0x0], $0xffff;
	v29 =	vadd.f32 v35, v29  }
0xa5: {  	v52 =	vld.idx.msk [tilespmem:v34+s30+$0x0], $0xffff;
	v36 =	vand.u32 $0xFFFFFFF8, v51;
	v24 =	vadd.f32 v27, v24  }
0xa6: {  	v54 =	vadd.s32 v18, v28;
	v53 =	vor.u32 v3, v36;
	v27 =	vld.idx.msk [tilespmem:v34+s31+$0x0], $0xffff;
	v29 =	vadd.f32 v31, v29  }
0xa7: {  	v36 =	vand.u32 $0xFFFFFFF8, v54;
	v31 =	vld.idx.msk [tilespmem:v30+s30+$0x0], $0xffff;
	v24 =	vadd.f32 v26, v24  }
0xa8: {  	v55 =	vadd.s32 v19, v28;
	v26 =	vld.idx.msk [tilespmem:v30+s31+$0x0], $0xffff;
	v30 =	vor.u32 v5, v36;
	v29 =	vadd.f32 v49, v29  }
0xa9: {  	v56 =	vld.idx.msk [tilespmem:v50+s30+$0x0], $0xffff;
	v36 =	vand.u32 $0xFFFFFFF8, v55;
	v24 =	vadd.f32 v25, v24  }
0xaa: {  	v58 =	vadd.s32 v20, v28;
	v57 =	vor.u32 v7, v36;
	v25 =	vld.idx.msk [tilespmem:v50+s31+$0x0], $0xffff;
	v29 =	vadd.f32 v52, v29  }
0xab: {  	v59 =	vld.idx.msk [tilespmem:v53+s30+$0x0], $0xffff;
	v36 =	vand.u32 $0xFFFFFFF8, v58;
	v24 =	vadd.f32 v27, v24  }
0xac: {  	v61 =	vadd.s32 v21, v28;
	v60 =	vor.u32 v9, v36;
	v27 =	vld.idx.msk [tilespmem:v53+s31+$0x0], $0xffff;
	v29 =	vadd.f32 v31, v29  }
0xad: {  	v36 =	vand.u32 $0xFFFFFFF8, v61;
	v31 =	vld.idx.msk [tilespmem:v30+s30+$0x0], $0xffff;
	v24 =	vadd.f32 v26, v24  }
0xae: {  	v62 =	vadd.s32 v22, v28;
	v26 =	vld.idx.msk [tilespmem:v30+s31+$0x0], $0xffff;
	v30 =	vor.u32 v11, v36;
	v29 =	vadd.f32 v56, v29  }
0xaf: {  	v63 =	vld.idx.msk [tilespmem:v57+s30+$0x0], $0xffff;
	v36 =	vand.u32 $0xFFFFFFF8, v62;
	v24 =	vadd.f32 v25, v24  }
0xb0: {  	v28 =	vadd.s32 v23, v28;
	v40 =	vor.u32 v13, v36;
	v25 =	vld.idx.msk [tilespmem:v57+s31+$0x0], $0xffff;
	v29 =	vadd.f32 v59, v29  }
0xb1: {  	v28 =	vand.u32 $0xFFFFFFF8, v28;
	v41 =	vld.idx.msk [tilespmem:v60+s30+$0x0], $0xffff;
	v24 =	vadd.f32 v27, v24  }
0xb2: {  	v28 =	vor.u32 v15, v28;
	v27 =	vld.idx.msk [tilespmem:v60+s31+$0x0], $0xffff;
	v29 =	vadd.f32 v31, v29  }
0xb3: {  	s22 =	simm.s32 $0x10;
	v31 =	vld.idx.msk [tilespmem:v30+s30+$0x0], $0xffff;
	v24 =	vadd.f32 v26, v24  }
0xb4: {  	v26 =	vld.idx.msk [tilespmem:v30+s31+$0x0], $0xffff;
	v30 =	vmov s22;
	v29 =	vadd.f32 v63, v29  }
0xb5: {  	v42 =	vld.idx.msk [tilespmem:v40+s30+$0x0], $0xffff;
	v30 =	vmul.u32 $0x11, v30;
	v24 =	vadd.f32 v25, v24  }
0xb6: {  	v25 =	vld.idx.msk [tilespmem:v40+s31+$0x0], $0xffff;
	v29 =	vadd.f32 v41, v29  }
0xb7: {  	v43 =	vld.idx.msk [tilespmem:v28+s30+$0x0], $0xffff;
	v30 =	vbroadcast v30, $0x0;
	v24 =	vadd.f32 v27, v24  }
0xb8: {  	v27 =	vld.idx.msk [tilespmem:v28+s31+$0x0], $0xffff;
	v28 =	vadd.f32 v31, v29  }
0xb9: {  	v29 =	vadd.s32 v0, v30;
	v24 =	vadd.f32 v26, v24  }
0xba: {  	v26 =	vand.u32 $0xFFFFFFF8, v29;
	v28 =	vadd.f32 v42, v28  }
0xbb: {  	v29 =	vadd.s32 v2, v30;
	v26 =	vor.u32 v1, v26;
	v24 =	vadd.f32 v25, v24  }
0xbc: {  	v25 =	vand.u32 $0xFFFFFFF8, v29;
	v28 =	vadd.f32 v43, v28  }
0xbd: {  	s18 =	simm.s32 $0x14C00;
	v29 =	vadd.s32 v4, v30;
	v25 =	vor.u32 v3, v25;
	v24 =	vadd.f32 v27, v24  }
0xbe: {  	s19 =	simm.s32 $0x14E00;
	v27 =	vand.u32 $0xFFFFFFF8, v29;
	[tilespmem:s18+$0x0] =	vst v28  }
0xbf: {  	v27 =	vor.u32 v5, v27;
	v28 =	vadd.s32 v6, v30;
	[tilespmem:s19+$0x0] =	vst v24  }
0xc0: {  	v28 =	vand.u32 $0xFFFFFFF8, v28;
	v24 =	vld.idx.msk [tilespmem:v26+s30+$0x0], $0xffff  }
0xc1: {  	v29 =	vadd.s32 v8, v30;
	v26 =	vld.idx.msk [tilespmem:v26+s31+$0x0], $0xffff;
	v28 =	vor.u32 v7, v28  }
0xc2: {  	v29 =	vand.u32 $0xFFFFFFF8, v29;
	v31 =	vld.idx.msk [tilespmem:v25+s30+$0x0], $0xffff  }
0xc3: {  	v44 =	vadd.s32 v10, v30;
	v29 =	vor.u32 v9, v29;
	v25 =	vld.idx.msk [tilespmem:v25+s31+$0x0], $0xffff  }
0xc4: {  	v32 =	vand.u32 $0xFFFFFFF8, v44;
	v45 =	vld.idx.msk [tilespmem:v27+s30+$0x0], $0xffff  }
0xc5: {  	v46 =	vadd.s32 v12, v30;
	v32 =	vor.u32 v11, v32;
	v27 =	vld.idx.msk [tilespmem:v27+s31+$0x0], $0xffff  }
0xc6: {  	v34 =	vand.u32 $0xFFFFFFF8, v46;
	v24 =	vadd.f32 $0.0e+00, v24;
	v47 =	vld.idx.msk [tilespmem:v28+s30+$0x0], $0xffff;
	v26 =	vadd.f32 $0.0e+00, v26  }
0xc7: {  	v48 =	vadd.s32 v14, v30;
	v34 =	vor.u32 v13, v34;
	v28 =	vld.idx.msk [tilespmem:v28+s31+$0x0], $0xffff  }
0xc8: {  	v36 =	vand.u32 $0xFFFFFFF8, v48;
	v24 =	vadd.f32 v31, v24;
	v31 =	vld.idx.msk [tilespmem:v29+s30+$0x0], $0xffff;
	v25 =	vadd.f32 v25, v26  }
0xc9: {  	v49 =	vadd.s32 v16, v30;
	v26 =	vld.idx.msk [tilespmem:v29+s31+$0x0], $0xffff;
	v29 =	vor.u32 v15, v36  }
0xca: {  	v50 =	vld.idx.msk [tilespmem:v32+s30+$0x0], $0xffff;
	v36 =	vand.u32 $0xFFFFFFF8, v49;
	v24 =	vadd.f32 v45, v24;
	v25 =	vadd.f32 v27, v25  }
0xcb: {  	v52 =	vadd.s32 v17, v30;
	v51 =	vor.u32 v1, v36;
	v27 =	vld.idx.msk [tilespmem:v32+s31+$0x0], $0xffff  }
0xcc: {  	v53 =	vld.idx.msk [tilespmem:v34+s30+$0x0], $0xffff;
	v36 =	vand.u32 $0xFFFFFFF8, v52;
	v24 =	vadd.f32 v47, v24;
	v25 =	vadd.f32 v28, v25  }
0xcd: {  	v55 =	vadd.s32 v18, v30;
	v54 =	vor.u32 v3, v36;
	v28 =	vld.idx.msk [tilespmem:v34+s31+$0x0], $0xffff  }
0xce: {  	v36 =	vand.u32 $0xFFFFFFF8, v55;
	v24 =	vadd.f32 v31, v24;
	v31 =	vld.idx.msk [tilespmem:v29+s30+$0x0], $0xffff;
	v25 =	vadd.f32 v26, v25  }
0xcf: {  	v56 =	vadd.s32 v19, v30;
	v26 =	vld.idx.msk [tilespmem:v29+s31+$0x0], $0xffff;
	v29 =	vor.u32 v5, v36  }
0xd0: {  	v57 =	vld.idx.msk [tilespmem:v51+s30+$0x0], $0xffff;
	v36 =	vand.u32 $0xFFFFFFF8, v56;
	v24 =	vadd.f32 v50, v24;
	v25 =	vadd.f32 v27, v25  }
0xd1: {  	v59 =	vadd.s32 v20, v30;
	v58 =	vor.u32 v7, v36;
	v27 =	vld.idx.msk [tilespmem:v51+s31+$0x0], $0xffff  }
0xd2: {  	v60 =	vld.idx.msk [tilespmem:v54+s30+$0x0], $0xffff;
	v36 =	vand.u32 $0xFFFFFFF8, v59;
	v24 =	vadd.f32 v53, v24;
	v25 =	vadd.f32 v28, v25  }
0xd3: {  	v62 =	vadd.s32 v21, v30;
	v61 =	vor.u32 v9, v36;
	v28 =	vld.idx.msk [tilespmem:v54+s31+$0x0], $0xffff  }
0xd4: {  	v36 =	vand.u32 $0xFFFFFFF8, v62;
	v24 =	vadd.f32 v31, v24;
	v31 =	vld.idx.msk [tilespmem:v29+s30+$0x0], $0xffff;
	v25 =	vadd.f32 v26, v25  }
0xd5: {  	v36 =	vor.u32 v11, v36;
	v29 =	vld.idx.msk [tilespmem:v29+s31+$0x0], $0xffff  }
0xd6: {  	v26 =	vadd.s32 v22, v30;
	v25 =	vadd.f32 v27, v25  }
0xd7: {  	v37 =	vld.idx.msk [tilespmem:v58+s30+$0x0], $0xffff;
	v26 =	vand.u32 $0xFFFFFFF8, v26;
	v33 =	vadd.f32 v57, v24  }
0xd8: {  	v38 =	vld.idx.msk [tilespmem:v58+s31+$0x0], $0xffff;
	v30 =	vadd.s32 v23, v30;
	v39 =	vor.u32 v13, v26;
	v28 =	vadd.f32 v28, v25  }
0xd9: {  	v30 =	vand.u32 $0xFFFFFFF8, v30;
	v24 =	vld.idx.msk [tilespmem:v61+s30+$0x0], $0xffff;
	v27 =	vadd.f32 v60, v33  }
0xda: {  	v26 =	vld.idx.msk [tilespmem:v36+s30+$0x0], $0xffff;
	v63 =	vadd.f32 v29, v28;
	v29 =	vor.u32 v15, v30  }
0xdb: {  	v25 =	vld.idx.msk [tilespmem:v61+s31+$0x0], $0xffff;
	v31 =	vadd.f32 v31, v27  }
0xdc: {  	s20 =	simm.s32 $0x20;
	v27 =	vld.idx.msk [tilespmem:v36+s31+$0x0], $0xffff  }
0xdd: {  	v30 =	vmov s20;
	v28 =	vld.idx.msk [tilespmem:v39+s30+$0x0], $0xffff;
	v32 =	vadd.f32 v37, v31  }
0xde: {  	s20 =	simm.s32 $0x30;
	v31 =	vmul.u32 $0x11, v30;
	v33 =	vadd.f32 v38, v63;
	v30 =	vld.idx.msk [tilespmem:v39+s31+$0x0], $0xffff  }
.LBB2_4:
0xdf: {  	p0 =	sne.s32 s20, $0x1F0;
	v32 =	vadd.f32 v24, v32;
	v34 =	vld.idx.msk [tilespmem:v29+s30+$0x0], $0xffff  }
0xe0: {  	v24 =	vbroadcast v31, $0x0;
	v25 =	vadd.f32 v25, v33;
	v29 =	vld.idx.msk [tilespmem:v29+s31+$0x0], $0xffff  }
0xe1: {  	v26 =	vadd.f32 v26, v32  }
0xe2: {  	v31 =	vadd.s32 v0, v24;
	v25 =	vadd.f32 v27, v25  }
0xe3: {  	v27 =	vand.u32 $0xFFFFFFF8, v31;
	v26 =	vadd.f32 v28, v26  }
0xe4: {  	v28 =	vadd.s32 v2, v24;
	v27 =	vor.u32 v1, v27;
	v25 =	vadd.f32 v30, v25  }
0xe5: {  	v28 =	vand.u32 $0xFFFFFFF8, v28;
	v26 =	vadd.f32 v34, v26  }
0xe6: {  	s18 =	sadd.s32 $0x10, s18;
	v30 =	vadd.s32 v4, v24;
	v28 =	vor.u32 v3, v28;
	v25 =	vadd.f32 v29, v25  }
0xe7: {  	s19 =	sadd.s32 $0x10, s19;
	v29 =	vand.u32 $0xFFFFFFF8, v30;
	[tilespmem:s18+$0x0] =	vst v26  }
0xe8: {  	v26 =	vor.u32 v5, v29;
	v29 =	vadd.s32 v6, v24;
	[tilespmem:s19+$0x0] =	vst v25  }
0xe9: {  	v29 =	vand.u32 $0xFFFFFFF8, v29;
	v25 =	vld.idx.msk [tilespmem:v27+s30+$0x0], $0xffff  }
0xea: {  	v30 =	vadd.s32 v8, v24;
	v29 =	vor.u32 v7, v29;
	v27 =	vld.idx.msk [tilespmem:v27+s31+$0x0], $0xffff  }
0xeb: {  	v30 =	vand.u32 $0xFFFFFFF8, v30;
	v31 =	vld.idx.msk [tilespmem:v28+s30+$0x0], $0xffff  }
0xec: {  	v32 =	vadd.s32 v10, v24;
	v30 =	vor.u32 v9, v30;
	v28 =	vld.idx.msk [tilespmem:v28+s31+$0x0], $0xffff  }
0xed: {  	v32 =	vand.u32 $0xFFFFFFF8, v32;
	v33 =	vld.idx.msk [tilespmem:v26+s30+$0x0], $0xffff  }
0xee: {  	v32 =	vor.u32 v11, v32;
	v34 =	vadd.s32 v12, v24;
	v26 =	vld.idx.msk [tilespmem:v26+s31+$0x0], $0xffff  }
0xef: {  	v34 =	vand.u32 $0xFFFFFFF8, v34;
	v25 =	vadd.f32 $0.0e+00, v25;
	v35 =	vld.idx.msk [tilespmem:v29+s30+$0x0], $0xffff  }
0xf0: {  	v36 =	vadd.s32 v14, v24;
	v34 =	vor.u32 v13, v34;
	v27 =	vadd.f32 $0.0e+00, v27;
	v29 =	vld.idx.msk [tilespmem:v29+s31+$0x0], $0xffff  }
0xf1: {  	v36 =	vand.u32 $0xFFFFFFF8, v36;
	v25 =	vadd.f32 v31, v25;
	v31 =	vld.idx.msk [tilespmem:v30+s30+$0x0], $0xffff  }
0xf2: {  	v27 =	vadd.f32 v28, v27;
	v28 =	vld.idx.msk [tilespmem:v30+s31+$0x0], $0xffff;
	v30 =	vor.u32 v15, v36;
	v36 =	vadd.s32 v16, v24  }
0xf3: {  	v25 =	vadd.f32 v33, v25;
	v33 =	vld.idx.msk [tilespmem:v32+s30+$0x0], $0xffff;
	v36 =	vand.u32 $0xFFFFFFF8, v36  }
0xf4: {  	v26 =	vadd.f32 v26, v27;
	v27 =	vld.idx.msk [tilespmem:v32+s31+$0x0], $0xffff;
	v32 =	vor.u32 v1, v36;
	v36 =	vadd.s32 v17, v24  }
0xf5: {  	v25 =	vadd.f32 v35, v25;
	v35 =	vld.idx.msk [tilespmem:v34+s30+$0x0], $0xffff;
	v36 =	vand.u32 $0xFFFFFFF8, v36  }
0xf6: {  	v26 =	vadd.f32 v29, v26;
	v29 =	vld.idx.msk [tilespmem:v34+s31+$0x0], $0xffff;
	v34 =	vor.u32 v3, v36;
	v36 =	vadd.s32 v18, v24  }
0xf7: {  	v25 =	vadd.f32 v31, v25;
	v31 =	vld.idx.msk [tilespmem:v30+s30+$0x0], $0xffff;
	v36 =	vand.u32 $0xFFFFFFF8, v36  }
0xf8: {  	v26 =	vadd.f32 v28, v26;
	v28 =	vld.idx.msk [tilespmem:v30+s31+$0x0], $0xffff;
	v30 =	vor.u32 v5, v36;
	v36 =	vadd.s32 v19, v24  }
0xf9: {  	v25 =	vadd.f32 v33, v25;
	v33 =	vld.idx.msk [tilespmem:v32+s30+$0x0], $0xffff;
	v36 =	vand.u32 $0xFFFFFFF8, v36  }
0xfa: {  	v26 =	vadd.f32 v27, v26;
	v27 =	vld.idx.msk [tilespmem:v32+s31+$0x0], $0xffff;
	v32 =	vor.u32 v7, v36;
	v36 =	vadd.s32 v20, v24  }
0xfb: {  	v25 =	vadd.f32 v35, v25;
	v35 =	vld.idx.msk [tilespmem:v34+s30+$0x0], $0xffff;
	v36 =	vand.u32 $0xFFFFFFF8, v36  }
0xfc: {  	v26 =	vadd.f32 v29, v26;
	v29 =	vld.idx.msk [tilespmem:v34+s31+$0x0], $0xffff;
	v34 =	vor.u32 v9, v36;
	v36 =	vadd.s32 v21, v24  }
0xfd: {  	v25 =	vadd.f32 v31, v25;
	v31 =	vld.idx.msk [tilespmem:v30+s30+$0x0], $0xffff;
	v36 =	vand.u32 $0xFFFFFFF8, v36  }
0xfe: {  	v26 =	vadd.f32 v28, v26;
	v28 =	vld.idx.msk [tilespmem:v30+s31+$0x0], $0xffff;
	v30 =	vor.u32 v11, v36;
	v36 =	vadd.s32 v22, v24  }
0xff: {  	v25 =	vadd.f32 v33, v25;
	v33 =	vld.idx.msk [tilespmem:v32+s30+$0x0], $0xffff;
	v36 =	vand.u32 $0xFFFFFFF8, v36  }
0x100: {  	v26 =	vadd.f32 v27, v26;
	v27 =	vadd.s32 v23, v24;
	v37 =	vld.idx.msk [tilespmem:v32+s31+$0x0], $0xffff;
	v36 =	vor.u32 v13, v36  }
0x101: {  	v32 =	vadd.f32 v35, v25;
	v27 =	vand.u32 $0xFFFFFFF8, v27;
	v24 =	vld.idx.msk [tilespmem:v34+s30+$0x0], $0xffff  }
.Ltmp1:
0x102: {  	v35 =	vadd.f32 v29, v26;
	v29 =	vor.u32 v15, v27;
	v25 =	vld.idx.msk [tilespmem:v34+s31+$0x0], $0xffff;
	(pc) =	sbr.rel @p0 .LBB2_4-.Ltmp1, $4  }
0x103: {  	v31 =	vadd.f32 v31, v32;
	v26 =	vld.idx.msk [tilespmem:v30+s30+$0x0], $0xffff  }
0x104: {  	v34 =	vadd.f32 v28, v35;
	v27 =	vld.idx.msk [tilespmem:v30+s31+$0x0], $0xffff  }
0x105: {  	v30 =	vmov s20;
	v32 =	vadd.f32 v33, v31;
	v28 =	vld.idx.msk [tilespmem:v36+s30+$0x0], $0xffff  }
0x106: {  	s20 =	sadd.s32 $0x10, s20;
	v31 =	vmul.u32 $0x11, v30;
	v33 =	vadd.f32 v37, v34;
	v30 =	vld.idx.msk [tilespmem:v36+s31+$0x0], $0xffff  }
0x107: {  	_ =	sdelay $0x2  }
0x108: {  	v24 =	vadd.f32 v24, v32  }
0x109: {  	v38 =	vld.idx.msk [tilespmem:v29+s30+$0x0], $0xffff;
	v31 =	vbroadcast v31, $0x0;
	v25 =	vadd.f32 v25, v33  }
0x10a: {  	v39 =	vld.idx.msk [tilespmem:v29+s31+$0x0], $0xffff;
	v24 =	vadd.f32 v26, v24  }
0x10b: {  	v40 =	vadd.s32 v0, v31;
	v25 =	vadd.f32 v27, v25  }
0x10c: {  	v26 =	vand.u32 $0xFFFFFFF8, v40;
	v24 =	vadd.f32 v28, v24  }
0x10d: {  	v41 =	vadd.s32 v2, v31;
	v26 =	vor.u32 v1, v26;
	v25 =	vadd.f32 v30, v25  }
0x10e: {  	v27 =	vand.u32 $0xFFFFFFF8, v41;
	v24 =	vadd.f32 v38, v24  }
0x10f: {  	s18 =	sadd.s32 $0x10, s18;
	v42 =	vadd.s32 v4, v31;
	v27 =	vor.u32 v3, v27;
	v25 =	vadd.f32 v39, v25  }
0x110: {  	s19 =	sadd.s32 $0x10, s19;
	v28 =	vand.u32 $0xFFFFFFF8, v42;
	[tilespmem:s18+$0x0] =	vst v24  }
0x111: {  	v44 =	vadd.s32 v6, v31;
	v43 =	vor.u32 v5, v28;
	[tilespmem:s19+$0x0] =	vst v25  }
0x112: {  	v28 =	vand.u32 $0xFFFFFFF8, v44;
	v25 =	vld.idx.msk [tilespmem:v26+s30+$0x0], $0xffff  }
0x113: {  	v45 =	vadd.s32 v8, v31;
	v28 =	vor.u32 v7, v28;
	v26 =	vld.idx.msk [tilespmem:v26+s31+$0x0], $0xffff  }
0x114: {  	v29 =	vand.u32 $0xFFFFFFF8, v45;
	v46 =	vld.idx.msk [tilespmem:v27+s30+$0x0], $0xffff  }
0x115: {  	v47 =	vadd.s32 v10, v31;
	v29 =	vor.u32 v9, v29;
	v27 =	vld.idx.msk [tilespmem:v27+s31+$0x0], $0xffff  }
0x116: {  	v32 =	vand.u32 $0xFFFFFFF8, v47;
	v48 =	vld.idx.msk [tilespmem:v43+s30+$0x0], $0xffff  }
0x117: {  	v34 =	vadd.s32 v12, v31;
	v32 =	vor.u32 v11, v32;
	v24 =	vld.idx.msk [tilespmem:v43+s31+$0x0], $0xffff;
	v25 =	vadd.f32 $0.0e+00, v25  }
0x118: {  	v34 =	vand.u32 $0xFFFFFFF8, v34;
	v35 =	vld.idx.msk [tilespmem:v28+s30+$0x0], $0xffff;
	v26 =	vadd.f32 $0.0e+00, v26  }
0x119: {  	v36 =	vadd.s32 v14, v31;
	v34 =	vor.u32 v13, v34;
	v28 =	vld.idx.msk [tilespmem:v28+s31+$0x0], $0xffff;
	v25 =	vadd.f32 v46, v25  }
0x11a: {  	v36 =	vand.u32 $0xFFFFFFF8, v36;
	v49 =	vld.idx.msk [tilespmem:v29+s30+$0x0], $0xffff;
	v26 =	vadd.f32 v27, v26  }
0x11b: {  	v52 =	vadd.s32 v16, v31;
	v51 =	vor.u32 v15, v36;
	v50 =	vld.idx.msk [tilespmem:v29+s31+$0x0], $0xffff;
	v25 =	vadd.f32 v48, v25  }
0x11c: {  	v36 =	vand.u32 $0xFFFFFFF8, v52;
	v53 =	vld.idx.msk [tilespmem:v32+s30+$0x0], $0xffff;
	v24 =	vadd.f32 v24, v26  }
0x11d: {  	v56 =	vadd.s32 v17, v31;
	v55 =	vor.u32 v1, v36;
	v54 =	vld.idx.msk [tilespmem:v32+s31+$0x0], $0xffff;
	v25 =	vadd.f32 v35, v25  }
0x11e: {  	v36 =	vand.u32 $0xFFFFFFF8, v56;
	v57 =	vld.idx.msk [tilespmem:v34+s30+$0x0], $0xffff;
	v24 =	vadd.f32 v28, v24  }
0x11f: {  	v60 =	vadd.s32 v18, v31;
	v59 =	vor.u32 v3, v36;
	v58 =	vld.idx.msk [tilespmem:v34+s31+$0x0], $0xffff;
	v25 =	vadd.f32 v49, v25  }
0x120: {  	v36 =	vand.u32 $0xFFFFFFF8, v60;
	v61 =	vld.idx.msk [tilespmem:v51+s30+$0x0], $0xffff;
	v24 =	vadd.f32 v50, v24  }
0x121: {  	v40 =	vadd.s32 v19, v31;
	v63 =	vor.u32 v5, v36;
	v62 =	vld.idx.msk [tilespmem:v51+s31+$0x0], $0xffff;
	v25 =	vadd.f32 v53, v25  }
0x122: {  	v36 =	vand.u32 $0xFFFFFFF8, v40;
	v41 =	vld.idx.msk [tilespmem:v55+s30+$0x0], $0xffff;
	v24 =	vadd.f32 v54, v24  }
0x123: {  	v44 =	vadd.s32 v20, v31;
	v43 =	vor.u32 v7, v36;
	v42 =	vld.idx.msk [tilespmem:v55+s31+$0x0], $0xffff;
	v25 =	vadd.f32 v57, v25  }
0x124: {  	v36 =	vand.u32 $0xFFFFFFF8, v44;
	v45 =	vld.idx.msk [tilespmem:v59+s30+$0x0], $0xffff;
	v24 =	vadd.f32 v58, v24  }
0x125: {  	v47 =	vor.u32 v9, v36;
	v46 =	vld.idx.msk [tilespmem:v59+s31+$0x0], $0xffff;
	v48 =	vadd.s32 v21, v31;
	v25 =	vadd.f32 v61, v25  }
0x126: {  	v36 =	vand.u32 $0xFFFFFFF8, v48;
	v49 =	vld.idx.msk [tilespmem:v63+s30+$0x0], $0xffff;
	v24 =	vadd.f32 v62, v24  }
0x127: {  	v52 =	vadd.s32 v22, v31;
	v51 =	vor.u32 v11, v36;
	v50 =	vld.idx.msk [tilespmem:v63+s31+$0x0], $0xffff;
	v25 =	vadd.f32 v41, v25  }
0x128: {  	v36 =	vand.u32 $0xFFFFFFF8, v52;
	v53 =	vld.idx.msk [tilespmem:v43+s30+$0x0], $0xffff;
	v24 =	vadd.f32 v42, v24  }
0x129: {  	v31 =	vadd.s32 v23, v31;
	v55 =	vor.u32 v13, v36;
	v54 =	vld.idx.msk [tilespmem:v43+s31+$0x0], $0xffff;
	v25 =	vadd.f32 v45, v25  }
0x12a: {  	v56 =	vld.idx.msk [tilespmem:v47+s30+$0x0], $0xffff;
	v31 =	vand.u32 $0xFFFFFFF8, v31;
	v24 =	vadd.f32 v46, v24  }
0x12b: {  	v31 =	vor.u32 v15, v31;
	v57 =	vld.idx.msk [tilespmem:v47+s31+$0x0], $0xffff;
	v25 =	vadd.f32 v49, v25  }
0x12c: {  	v58 =	vld.idx.msk [tilespmem:v51+s30+$0x0], $0xffff;
	v24 =	vadd.f32 v50, v24  }
0x12d: {  	v59 =	vld.idx.msk [tilespmem:v51+s31+$0x0], $0xffff;
	v25 =	vadd.f32 v53, v25  }
0x12e: {  	v60 =	vld.idx.msk [tilespmem:v55+s30+$0x0], $0xffff;
	v24 =	vadd.f32 v54, v24  }
0x12f: {  	v61 =	vld.idx.msk [tilespmem:v55+s31+$0x0], $0xffff;
	v25 =	vadd.f32 v56, v25  }
0x130: {  	v62 =	vld.idx.msk [tilespmem:v31+s30+$0x0], $0xffff;
	v24 =	vadd.f32 v57, v24  }
0x131: {  	v63 =	vld.idx.msk [tilespmem:v31+s31+$0x0], $0xffff;
	v25 =	vadd.f32 v58, v25  }
0x132: {  	v24 =	vadd.f32 v59, v24  }
0x133: {  	v25 =	vadd.f32 v60, v25  }
0x134: {  	v24 =	vadd.f32 v61, v24  }
0x135: {  	v25 =	vadd.f32 v62, v25  }
0x136: {  	s18 =	sadd.s32 $0x10, s18;
	v24 =	vadd.f32 v63, v24  }
0x137: {  	s22 =	sadd.s32 $0x10, s19;
	[tilespmem:s18+$0x0] =	vst v25  }
0x138: {  	[tilespmem:s22+$0x0] =	vst v24  }
0x139: {  	[hbm4b:s9+s2] =	stream.linear.scatter [tilespmem:s0], [sflag:$0x2], $0x200, $0x38;
	[tilespmem:$0x15000] =	vst v63  }
0x13a: {  	s17 =	sadd.s32 $0x1, s17;
	_ =	swait.ge [sflag:s12], $0x200  }
0x13b: {  	p0 =	sne.s32 s17, s11;
	[sflag:s12] =	ssyncset.done $0x0  }
.Ltmp2:
0x13c: {  	[sflag:s12] =	ssyncadd.s32 $0xFFFFFE00;
	(pc) =	sbr.rel @p0 .LBB2_1-.Ltmp2, $4  }
0x13d: {  	[hbm4b:s10+s2] =	stream.linear.scatter [tilespmem:s1], [sflag:$0x2], $0x200, $0x38;
	[tilespmem:$0x15000] =	vst v63  }
0x13e: {  	_ =	swait.ge [sflag:s12], $0x200  }
0x13f: {  	[sflag:s12] =	ssyncset.done $0x0  }
0x140: {  	[sflag:s12] =	ssyncadd.s32 $0xFFFFFE00  }
0x141: {  	_ =	sfence.sel $0x180000  }
0x142: {  	[bflag:$0x0] =	sbarrier.arrive $0xFFFF  }
0x143: {  	_ =	strace $0x90000047  }
0x144: {  	s0 =	stileid.u32;
	[bflag:$0x2] =	sbarrier.arrive $0xFFFF  }
0x145: {  	p0 =	sne.s32 s0, $0x0;
	s0 =	rddreg [dreg:$0x5]  }
0x146: {  	s0 =	sadd.s32 @!p0 $0x100000, s0  }
0x147: {  	[sflag:s0] =	ssyncadd.tile.s32 @!p0 $0x1;
	_ =	shalt  }
.Lfunc_end2:
_tile_overlayer_lowered:
.L_overlay_start_2:
0x148: {  	(tag) =	ssettag $0x2  }
0x149: {  	s0 =	rddreg [dreg:$0x0];
	s2 =	stileid.u32  }
0x14a: {  	s1 =	rddreg [dreg:$0x1];
	p0 =	sne.s32 s2, $0x0  }
0x14b: {  	s3 =	rddreg [dreg:$0x2];
	[bflag:$0x3] =	sbarrier.arrive $0xFFFF;
	s2 =	simm.s32 @!p0 $0x1C02  }
0x14c: {  	[timem:s3], [sflag:s2] =	dma.local @!p0 [hbm:s0], s1  }
0x14d: {  	s0 =	simm.s32 @!p0 $0x2  }
0x14e: {  	_ =	swait.ge @!p0 [sflag:s0], s1  }
0x14f: {  	s1 =	ssub.s32 @!p0 $0x0, s1;
	[sflag:s0] =	ssyncset.done @!p0 $0x0  }
0x150: {  	[sflag:s0] =	ssyncadd.s32 @!p0 s1  }
0x151: {  	[bflag:$0x3] =	sbarrier.arrive $0xFFFF  }
0x152: {  	_ =	shalt  }

</sc_bundles>
